<compile_context>
chip_gen: v7x
topology: tpu7x:2x2x1
jax: 0.10.2.dev20260603
libtpu: 0.0.44.dev20260713+nightly
codegen_flags: <defaults>
</compile_context>

<pallas_src>
import functools

import jax
import jax.numpy as jnp
from jax import lax
from jax.experimental import pallas as pl
from jax.experimental.pallas import tpu as pltpu
from jax.experimental.pallas import tpu_sc as plsc

_NPOINT = 1024
_RADIUS = 0.2
_NSAMPLE = 32
_BIGI = 2**30

_NR = 8
_NL = 1024


_FPS_BB = 4


def _fps_kernel(xs_ref, xyzs_ref, nxyz_ref):
    n_id = (lax.broadcasted_iota(jnp.int32, (_NR, _NL), 0) * _NL
            + lax.broadcasted_iota(jnp.int32, (_NR, _NL), 1))
    xyzv = [(xs_ref[b, 0], xs_ref[b, 1], xs_ref[b, 2])
            for b in range(_FPS_BB)]

    def body(i, st):
        out = []
        for b in range(_FPS_BB):
            dists, far = st[2 * b], st[2 * b + 1]
            cx = xyzs_ref[b, 0, far]
            cy = xyzs_ref[b, 1, far]
            cz = xyzs_ref[b, 2, far]
            nxyz_ref[b, 0, i] = cx
            nxyz_ref[b, 1, i] = cy
            nxyz_ref[b, 2, i] = cz
            x, y, z = xyzv[b]
            dx = x - cx
            dy = y - cy
            dz = z - cz
            d = (dx * dx + dy * dy) + dz * dz
            dists = jnp.minimum(dists, d)
            m = jnp.max(dists)
            far2 = jnp.min(jnp.where(dists == m, n_id, _BIGI)).astype(
                jnp.int32)
            out += [dists, far2]
        return tuple(out)

    dists0 = jnp.full((_NR, _NL), 1e10, dtype=jnp.float32)
    init = []
    for b in range(_FPS_BB):
        init += [dists0, jnp.int32(0)]
    lax.fori_loop(0, _NPOINT, body, tuple(init))


def _cumsum_lanes(x):
    rows, l = x.shape
    s = 1
    while s < l:
        pad = jnp.zeros((rows, s), x.dtype)
        x = x + jnp.concatenate([pad, x[:, :l - s]], axis=1)
        s *= 2
    return x


def _ballq_kernel(xs_ref, nx_ref, idx_ref, idxf_ref, cnt_ref):
    b = pl.program_id(0)
    n_total = _NR * _NL
    r2 = _RADIUS ** 2
    nxyz = nx_ref[0]
    nx = nxyz[:, 0:1]
    ny = nxyz[:, 1:2]
    nz = nxyz[:, 2:3]
    aa = (nx * nx + ny * ny) + nz * nz
    bf = lambda t: t.astype(jnp.bfloat16).astype(jnp.float32)
    nxb, nyb, nzb = bf(nx), bf(ny), bf(nz)
    idx_ref[0, 0] = jnp.full((128, _NSAMPLE), n_total, dtype=jnp.int32)
    cnt_ref[...] = jnp.zeros((128, 1), dtype=jnp.int32)
    sub = 1024
    lane = lax.broadcasted_iota(jnp.int32, (1, sub), 1)

    def chunk(c, carry):
        for j in range(_NL // sub):
            cnt = cnt_ref[...]

            @pl.when(jnp.min(cnt) < _NSAMPLE)
            def _(j=j, cnt=cnt):
                sl = pl.ds(j * sub, sub)
                xr = xs_ref[0, 0, pl.ds(c, 1), sl]
                yr = xs_ref[0, 1, pl.ds(c, 1), sl]
                zr = xs_ref[0, 2, pl.ds(c, 1), sl]
                bb = (xr * xr + yr * yr) + zr * zr
                ab = (nxb * bf(xr) + nyb * bf(yr)) + nzb * bf(zr)
                sqd = (aa + bb) - 2.0 * ab
                mask = sqd < r2
                pos = _cumsum_lanes(mask.astype(jnp.int32))
                nrow = c * _NL + j * sub + lane
                slot = cnt + pos - 1
                nb = jnp.where(mask & (slot < _NSAMPLE), nrow, _BIGI)
                cols = [jnp.min(jnp.where(slot == k, nb, _BIGI), axis=1,
                                keepdims=True)
                        for k in range(_NSAMPLE)]
                vals = jnp.concatenate(cols, axis=1)
                idx_ref[0, 0] = jnp.minimum(idx_ref[0, 0], vals)
                cnt_ref[...] = cnt + pos[:, sub - 1:sub]

        return carry

    lax.fori_loop(0, _NR, chunk, 0)

    o = idx_ref[0, 0]
    first = o[:, 0:1]
    o = jnp.where(o == n_total, first, o)
    idx_ref[0, 0] = o
    idxf_ref[0, 0] = o + b * n_total


def _feat_kernel(cat_ref, w_ref, f_ref):
    f_ref[...] = jnp.dot(cat_ref[...], w_ref[...],
                         preferred_element_type=jnp.float32,
                         precision=jax.lax.Precision.HIGHEST)


def _mlp_kernel(g_ref, nx_ref, w0x_ref, b0_ref, w1_ref, b1_ref, w2_ref, b2_ref,
                out_ref):
    hi = jax.lax.Precision.HIGHEST
    g0 = b0_ref[...] - jnp.dot(nx_ref[...], w0x_ref[...],
                               preferred_element_type=jnp.float32, precision=hi)
    gb = jnp.broadcast_to(g0[:, None, :], (128, _NSAMPLE, 32)).reshape(4096, 32)
    h = jnp.maximum(g_ref[...] + gb, 0.0)
    h = jnp.maximum(jnp.dot(h, w1_ref[...],
                            preferred_element_type=jnp.float32, precision=hi)
                    + b1_ref[...], 0.0)
    h = jnp.maximum(jnp.dot(h, w2_ref[...],
                            preferred_element_type=jnp.float32, precision=hi)
                    + b2_ref[...], 0.0)
    out_ref[...] = jnp.max(h.reshape(128, _NSAMPLE, 64), axis=1)


_SC_NC = 2
_SC_NS = 16
_SC_CH = 128


def _sc_gather_kernel(idx_hbm, table_hbm, out_hbm, idx_v, rows_v, sem0, sem1):
    nw = _SC_NC * _SC_NS
    bt = out_hbm.shape[0]
    per_w = bt // nw
    nch = per_w // _SC_CH
    wid = lax.axis_index("s") * _SC_NC + lax.axis_index("c")
    base = wid * per_w
    pltpu.sync_copy(idx_hbm.at[pl.ds(base, per_w)], idx_v)

    def body(g, carry):
        t0 = 2 * g
        t1 = t0 + 1
        h0 = pltpu.async_copy(
            table_hbm.at[idx_v.at[pl.ds(t0 * _SC_CH, _SC_CH)]],
            rows_v.at[0], sem0)
        h1 = pltpu.async_copy(
            table_hbm.at[idx_v.at[pl.ds(t1 * _SC_CH, _SC_CH)]],
            rows_v.at[1], sem1)
        h0.wait()
        pltpu.sync_copy(rows_v.at[0],
                        out_hbm.at[pl.ds(base + t0 * _SC_CH, _SC_CH)])
        h1.wait()
        pltpu.sync_copy(rows_v.at[1],
                        out_hbm.at[pl.ds(base + t1 * _SC_CH, _SC_CH)])
        return carry

    lax.fori_loop(0, nch // 2, body, 0)


def _stage_fps(xs):
    B = xs.shape[0]
    S = _NPOINT
    bb = _FPS_BB
    xyzs = xs.reshape(B, 3, _NR * _NL)
    fps = pl.pallas_call(
        _fps_kernel,
        grid=(B // bb,),
        in_specs=[
            pl.BlockSpec((bb, 3, _NR, _NL), lambda b: (b, 0, 0, 0)),
            pl.BlockSpec((bb, 3, _NR * _NL), lambda b: (b, 0, 0),
                         memory_space=pltpu.SMEM),
        ],
        out_specs=pl.BlockSpec((bb, 3, S), lambda b: (b, 0, 0),
                               memory_space=pltpu.SMEM),
        out_shape=jax.ShapeDtypeStruct((B, 3, S), jnp.float32),
        compiler_params=pltpu.CompilerParams(
            dimension_semantics=("parallel",)),
    )
    return fps(xs, xyzs).transpose(0, 2, 1)


def _stage_ballq(xs, new_xyz):
    B = xs.shape[0]
    S, K = _NPOINT, _NSAMPLE
    i32 = jnp.int32
    sblk = S // 128
    ballq = pl.pallas_call(
        _ballq_kernel,
        grid=(B, sblk),
        in_specs=[
            pl.BlockSpec((1, 3, _NR, _NL), lambda b, s: (b, 0, 0, 0)),
            pl.BlockSpec((1, 128, 3), lambda b, s: (b, s, 0)),
        ],
        out_specs=[
            pl.BlockSpec((1, 1, 128, K), lambda b, s: (b, s, 0, 0)),
            pl.BlockSpec((1, 1, 128, K), lambda b, s: (b, s, 0, 0)),
        ],
        out_shape=[jax.ShapeDtypeStruct((B, sblk, 128, K), i32),
                   jax.ShapeDtypeStruct((B, sblk, 128, K), i32)],
        scratch_shapes=[pltpu.VMEM((128, 1), i32)],
        compiler_params=pltpu.CompilerParams(
            dimension_semantics=("parallel", "parallel")),
    )
    return ballq(xs, new_xyz)


def _stage_feat(catf, w0p):
    rows = catf.shape[0]
    nfb = 4096
    feat = pl.pallas_call(
        _feat_kernel,
        grid=(rows // nfb,),
        in_specs=[pl.BlockSpec((nfb, 32), lambda i: (i, 0)),
                  pl.BlockSpec((32, 32), lambda i: (0, 0))],
        out_specs=pl.BlockSpec((nfb, 32), lambda i: (i, 0)),
        out_shape=jax.ShapeDtypeStruct((rows, 32), jnp.float32),
        compiler_params=pltpu.CompilerParams(
            dimension_semantics=("parallel",)),
    )
    return feat(catf, w0p)


def _stage_gather(idxf, ftab):
    bt = idxf.shape[0]
    f32, i32 = jnp.float32, jnp.int32
    gather = functools.partial(
        pl.kernel,
        mesh=plsc.VectorSubcoreMesh(core_axis_name="c", subcore_axis_name="s"),
        out_type=jax.ShapeDtypeStruct((bt, 32), f32),
        scratch_types=[pltpu.VMEM((bt // (_SC_NC * _SC_NS),), i32),
                       pltpu.VMEM((2, _SC_CH, 32), f32),
                       pltpu.SemaphoreType.DMA,
                       pltpu.SemaphoreType.DMA],
        compiler_params=pltpu.CompilerParams(use_tc_tiling_on_sc=False),
    )(_sc_gather_kernel)
    return gather(idxf, ftab)


def _stage_mlp(grows, nxp, w0x, b0, W1, b1, W2, b2):
    rows = nxp.shape[0]
    K = _NSAMPLE
    mlp = pl.pallas_call(
        _mlp_kernel,
        grid=(rows // 128,),
        in_specs=[
            pl.BlockSpec((128 * K, 32), lambda i: (i, 0)),
            pl.BlockSpec((128, 8), lambda i: (i, 0)),
            pl.BlockSpec((8, 32), lambda i: (0, 0)),
            pl.BlockSpec((1, 32), lambda i: (0, 0)),
            pl.BlockSpec((32, 32), lambda i: (0, 0)),
            pl.BlockSpec((1, 32), lambda i: (0, 0)),
            pl.BlockSpec((32, 64), lambda i: (0, 0)),
            pl.BlockSpec((1, 64), lambda i: (0, 0)),
        ],
        out_specs=pl.BlockSpec((128, 64), lambda i: (i, 0)),
        out_shape=jax.ShapeDtypeStruct((rows, 64), jnp.float32),
        compiler_params=pltpu.CompilerParams(
            dimension_semantics=("parallel",)),
    )
    return mlp(grows, nxp, w0x, b0.reshape(1, 32), W1, b1.reshape(1, 32),
               W2, b2.reshape(1, 64))


def kernel(xyz, points, W0, b0, W1, b1, W2, b2):
    B, N, _ = xyz.shape
    C = points.shape[-1]
    S, K = _NPOINT, _NSAMPLE
    f32 = jnp.float32

    xs = xyz.transpose(0, 2, 1).reshape(B, 3, _NR, _NL)
    new_xyz = _stage_fps(xs)
    idx4, idxf4 = _stage_ballq(xs, new_xyz)
    idx = idx4.reshape(B, S, K)

    cat = jnp.concatenate(
        [xyz, points, jnp.zeros((B, N, 32 - 3 - C), f32)], axis=-1)
    catf = cat.reshape(B * N, 32)
    w0p = jnp.concatenate([W0, jnp.zeros((32 - 3 - C, 32), f32)], axis=0)
    ftab = _stage_feat(catf, w0p)

    grows = _stage_gather(idxf4.reshape(B * S * K), ftab)

    nxp = jnp.concatenate([new_xyz, jnp.zeros((B, S, 5), f32)],
                          axis=-1).reshape(B * S, 8)
    w0x = jnp.concatenate([W0[:3], jnp.zeros((5, 32), f32)], axis=0)
    new_points = _stage_mlp(grows, nxp, w0x, b0, W1, b1, W2, b2).reshape(
        B, S, 64)

    return new_xyz, new_points, idx

# --- scband reference (transcript-rebuilt; emitter-appended) ---
"""Pipeline reference for scband-point-net-set-abstraction-33217277067288 (READ-ONLY COPY).

The authoritative reference and input builder live on the scoring server;
editing this copy changes nothing except your own understanding.
"""

import jax, jax.numpy as jnp
import numpy as np

NPOINT = 1024
RADIUS = 0.2
NSAMPLE = 32
MLP = [32, 32, 64]


def setup_inputs(seed: int = 0) -> dict:
    key = jax.random.key(seed)
    ks = jax.random.split(key, 10)
    B, N, C = 4, 8192, 16
    xyz = jax.random.uniform(ks[0], (B, N, 3), dtype=jnp.float32)
    points = jax.random.normal(ks[1], (B, N, C), dtype=jnp.float32)
    dims = [3 + C] + MLP
    inp = {"xyz": xyz, "points": points}
    for i in range(3):
        inp[f"W{i}"] = jax.random.normal(ks[2 + 2 * i], (dims[i], dims[i + 1]), dtype=jnp.float32) * 0.1
        inp[f"b{i}"] = jnp.zeros((dims[i + 1],), dtype=jnp.float32)
    return inp


def farthest_point_sample(xyz, npoint):
    B, N, _ = xyz.shape

    def body(i, state):
        dists, farthest, idxs = state
        idxs = idxs.at[:, i].set(farthest)
        centroid = jnp.take_along_axis(xyz, farthest[:, None, None], axis=1)  # [B,1,3]
        d = jnp.sum((xyz - centroid) ** 2, axis=-1)  # [B,N]
        dists = jnp.minimum(dists, d)
        farthest = jnp.argmax(dists, axis=-1).astype(jnp.int32)
        return dists, farthest, idxs

    dists = jnp.full((B, N), 1e10, dtype=jnp.float32)
    farthest = jnp.zeros((B,), dtype=jnp.int32)
    idxs = jnp.zeros((B, npoint), dtype=jnp.int32)
    _, _, idxs = jax.lax.fori_loop(0, npoint, body, (dists, farthest, idxs))
    return idxs


def pairwise_sqdist(a, b):
    # a: [B,S,3], b: [B,N,3] -> [B,S,N]
    aa = jnp.sum(a * a, axis=-1)[:, :, None]
    bb = jnp.sum(b * b, axis=-1)[:, None, :]
    ab = jnp.einsum('bsd,bnd->bsn', a, b)
    return aa + bb - 2.0 * ab


def query_ball_point(radius, nsample, xyz, new_xyz):
    B, N, _ = xyz.shape
    sqd = pairwise_sqdist(new_xyz, xyz)  # [B,S,N]
    mask = sqd < radius ** 2
    keys = jnp.where(mask, jnp.arange(N, dtype=jnp.int32)[None, None, :], N)
    neg_top, _ = jax.lax.top_k(-keys, nsample)
    idx = -neg_top  # smallest valid indices first
    first = idx[:, :, :1]
    idx = jnp.where(idx == N, first, idx)  # pad with first neighbor (seed always in ball)
    return idx.astype(jnp.int32)


def group_point(points, idx):
    # points: [B,N,C], idx: [B,S,K] -> [B,S,K,C]
    B, S, K = idx.shape
    flat = idx.reshape(B, S * K)
    out = jnp.take_along_axis(points, flat[:, :, None], axis=1)
    return out.reshape(B, S, K, points.shape[-1])


def reference(xyz, points, W0, b0, W1, b1, W2, b2):
    fps_idx = farthest_point_sample(xyz, NPOINT)
    new_xyz = jnp.take_along_axis(xyz, fps_idx[:, :, None], axis=1)  # [B,S,3]
    idx = query_ball_point(RADIUS, NSAMPLE, xyz, new_xyz)  # [B,S,K]
    grouped_xyz = group_point(xyz, idx) - new_xyz[:, :, None, :]
    grouped_points = group_point(points, idx)
    new_points = jnp.concatenate([grouped_xyz, grouped_points], axis=-1)  # use_xyz=True
    for W, b in ((W0, b0), (W1, b1), (W2, b2)):
        new_points = jax.nn.relu(jnp.einsum('bskc,cd->bskd', new_points, W) + b)
    new_points = jnp.max(new_points, axis=2)  # max pooling over local region
    return new_xyz, new_points, idx

if __name__ == "__main__":
    import jax
    _d = setup_inputs()
    print(jax.jit(kernel)(*tuple(_d.values())))

</pallas_src>

<mosaic_0001>
#map = affine_map<(d0, d1) -> (0)>
#map1 = affine_map<(d0, d1) -> (0, 0)>
module attributes {stable_mosaic.version = 14 : i64} {
  func.func @_sc_gather_kernel(%arg0: i32, %arg1: i32, %arg2: memref<131072xi32, #tpu.memory_space<hbm>>, %arg3: memref<32768x32xf32, #tpu.memory_space<hbm>>, %arg4: memref<131072x32xf32, #tpu.memory_space<hbm>>, %arg5: memref<4096xi32, #tpu.memory_space<vmem>>, %arg6: memref<2x128x32xf32, #tpu.memory_space<vmem>>, %arg7: memref<!tpu.dma_semaphore, #tpu.memory_space<semaphore_mem>>, %arg8: memref<!tpu.dma_semaphore, #tpu.memory_space<semaphore_mem>>) attributes {dimension_semantics = [#tpu.dimension_semantics<core_parallel>, #tpu.dimension_semantics<subcore_parallel>], iteration_bounds = array<i64: 2, 16>, scalar_prefetch = 0 : i64, scratch_operands = 4 : i64, tpu.core_type = #tpu.core_type<sc_vector_subcore>, window_params = [{transform_indices = #map}, {transform_indices = #map1}, {transform_indices = #map1}]} {
    %mul3A = arith.constant 2 : i32
    %mul3A_0 = arith.muli %arg1, %mul3A : i32
    %add3A = arith.addi %mul3A_0, %arg0 : i32
    %mul3A_1 = arith.constant 4096 : i32
    %mul3A_2 = arith.muli %add3A, %mul3A_1 : i32
    "tpu.region"() ({
      %run_scoped3A = tpu.sem_alloc : memref<!tpu.dma_semaphore, #tpu.memory_space<semaphore_mem>>
      %dma_start3A = tpu.memref_slice %arg2[%mul3A_2] : memref<131072xi32, #tpu.memory_space<hbm>> -> memref<4096xi32, #tpu.memory_space<hbm>>
      %dma_start3A_8 = tpu.memref_slice %arg2[%mul3A_2] : memref<131072xi32, #tpu.memory_space<hbm>> -> memref<4096xi32, #tpu.memory_space<hbm>>
      tpu.enqueue_dma source(%dma_start3A_8 : memref<4096xi32, #tpu.memory_space<hbm>>) target(%arg5 : memref<4096xi32, #tpu.memory_space<vmem>>) target_semaphore(%run_scoped3A : memref<!tpu.dma_semaphore, #tpu.memory_space<semaphore_mem>>)
      %dma_wait3A = tpu.memref_slice %arg2[%mul3A_2] : memref<131072xi32, #tpu.memory_space<hbm>> -> memref<4096xi32, #tpu.memory_space<hbm>>
      %dma_wait3A_9 = tpu.memref_slice %arg2[%mul3A_2] : memref<131072xi32, #tpu.memory_space<hbm>> -> memref<4096xi32, #tpu.memory_space<hbm>>
      tpu.wait_dma2 semaphore(%run_scoped3A : memref<!tpu.dma_semaphore, #tpu.memory_space<semaphore_mem>>) src(%dma_wait3A_9 : memref<4096xi32, #tpu.memory_space<hbm>>) dst(%arg5 : memref<4096xi32, #tpu.memory_space<vmem>>)
      tpu.yield
    }) : () -> ()
    %scan3A = arith.constant 0 : i32
    %scan3A_3 = arith.constant 0 : i32
    %scan3A_4 = arith.constant 16 : i32
    %scan3A_5 = arith.addi %scan3A_3, %scan3A_4 : i32
    %scan3A_6 = arith.constant 1 : i32
    scf.for %scan3A_8 = %scan3A_3 to %scan3A_5 step %scan3A_6  : i32 {
      %mul3A_9 = arith.constant 2 : i32
      %mul3A_10 = arith.muli %mul3A_9, %scan3A_8 : i32
      %add3A_11 = arith.constant 1 : i32
      %add3A_12 = arith.addi %mul3A_10, %add3A_11 : i32
      %mul3A_13 = arith.constant 128 : i32
      %mul3A_14 = arith.muli %mul3A_10, %mul3A_13 : i32
      %dma_start3A = arith.constant 0 : i32
      %dma_start3A_15 = arith.constant 0 : i32
      %dma_start3A_16 = arith.constant 0 : i32
      %dma_start3A_17 = tpu.memref_slice %arg6[%dma_start3A, %dma_start3A_15, %dma_start3A_16] : memref<2x128x32xf32, #tpu.memory_space<vmem>> -> memref<1x128x32xf32, #tpu.memory_space<vmem>>
      %dma_start3A_18 = tpu.memref_squeeze %dma_start3A_17 : memref<1x128x32xf32, #tpu.memory_space<vmem>> -> memref<128x32xf32, #tpu.memory_space<vmem>>
      %dma_start3A_19 = tpu.memref_slice %arg5[%mul3A_14] : memref<4096xi32, #tpu.memory_space<vmem>> -> memref<128xi32, #tpu.memory_space<vmem>>
      %dma_start3A_20 = arith.constant 0 : i32
      %dma_start3A_21 = arith.constant 0 : i32
      %dma_start3A_22 = tpu.memref_slice %arg3[%dma_start3A_20, %dma_start3A_21] : memref<32768x32xf32, #tpu.memory_space<hbm>> -> memref<32768x32xf32, #tpu.memory_space<hbm>>
      tpu.enqueue_indirect_dma source(%dma_start3A_22 : memref<32768x32xf32, #tpu.memory_space<hbm>>) target(%dma_start3A_18 : memref<128x32xf32, #tpu.memory_space<vmem>>) offsets(%dma_start3A_19 : memref<128xi32, #tpu.memory_space<vmem>>) semaphore(%arg7 : memref<!tpu.dma_semaphore, #tpu.memory_space<semaphore_mem>>)
      %mul3A_23 = arith.constant 128 : i32
      %mul3A_24 = arith.muli %add3A_12, %mul3A_23 : i32
      %dma_start3A_25 = arith.constant 1 : i32
      %dma_start3A_26 = arith.constant 0 : i32
      %dma_start3A_27 = arith.constant 0 : i32
      %dma_start3A_28 = tpu.memref_slice %arg6[%dma_start3A_25, %dma_start3A_26, %dma_start3A_27] : memref<2x128x32xf32, #tpu.memory_space<vmem>> -> memref<1x128x32xf32, #tpu.memory_space<vmem>>
      %dma_start3A_29 = tpu.memref_squeeze %dma_start3A_28 : memref<1x128x32xf32, #tpu.memory_space<vmem>> -> memref<128x32xf32, #tpu.memory_space<vmem>>
      %dma_start3A_30 = tpu.memref_slice %arg5[%mul3A_24] : memref<4096xi32, #tpu.memory_space<vmem>> -> memref<128xi32, #tpu.memory_space<vmem>>
      %dma_start3A_31 = arith.constant 0 : i32
      %dma_start3A_32 = arith.constant 0 : i32
      %dma_start3A_33 = tpu.memref_slice %arg3[%dma_start3A_31, %dma_start3A_32] : memref<32768x32xf32, #tpu.memory_space<hbm>> -> memref<32768x32xf32, #tpu.memory_space<hbm>>
      tpu.enqueue_indirect_dma source(%dma_start3A_33 : memref<32768x32xf32, #tpu.memory_space<hbm>>) target(%dma_start3A_29 : memref<128x32xf32, #tpu.memory_space<vmem>>) offsets(%dma_start3A_30 : memref<128xi32, #tpu.memory_space<vmem>>) semaphore(%arg8 : memref<!tpu.dma_semaphore, #tpu.memory_space<semaphore_mem>>)
      %dma_wait3A = arith.constant 0 : i32
      %dma_wait3A_34 = arith.constant 0 : i32
      %dma_wait3A_35 = arith.constant 0 : i32
      %dma_wait3A_36 = tpu.memref_slice %arg6[%dma_wait3A, %dma_wait3A_34, %dma_wait3A_35] : memref<2x128x32xf32, #tpu.memory_space<vmem>> -> memref<1x128x32xf32, #tpu.memory_space<vmem>>
      %dma_wait3A_37 = tpu.memref_squeeze %dma_wait3A_36 : memref<1x128x32xf32, #tpu.memory_space<vmem>> -> memref<128x32xf32, #tpu.memory_space<vmem>>
      %dma_wait3A_38 = tpu.memref_slice %arg5[%mul3A_14] : memref<4096xi32, #tpu.memory_space<vmem>> -> memref<128xi32, #tpu.memory_space<vmem>>
      %dma_wait3A_39 = arith.constant 0 : i32
      %dma_wait3A_40 = arith.constant 0 : i32
      %dma_wait3A_41 = tpu.memref_slice %arg3[%dma_wait3A_39, %dma_wait3A_40] : memref<32768x32xf32, #tpu.memory_space<hbm>> -> memref<32768x32xf32, #tpu.memory_space<hbm>>
      tpu.wait_indirect_dma semaphore(%arg7 : memref<!tpu.dma_semaphore, #tpu.memory_space<semaphore_mem>>) src(%dma_wait3A_41 : memref<32768x32xf32, #tpu.memory_space<hbm>>) dst(%dma_wait3A_37 : memref<128x32xf32, #tpu.memory_space<vmem>>)
      %mul3A_42 = arith.constant 128 : i32
      %mul3A_43 = arith.muli %mul3A_10, %mul3A_42 : i32
      %add3A_44 = arith.addi %mul3A_2, %mul3A_43 : i32
      %run_scoped3A = arith.constant 0 : i32
      "tpu.region"() ({
        %run_scoped3A_58 = tpu.sem_alloc : memref<!tpu.dma_semaphore, #tpu.memory_space<semaphore_mem>>
        %dma_start3A_59 = arith.constant 0 : i32
        %dma_start3A_60 = arith.constant 0 : i32
        %dma_start3A_61 = tpu.memref_slice %arg6[%run_scoped3A, %dma_start3A_59, %dma_start3A_60] : memref<2x128x32xf32, #tpu.memory_space<vmem>> -> memref<1x128x32xf32, #tpu.memory_space<vmem>>
        %dma_start3A_62 = tpu.memref_squeeze %dma_start3A_61 : memref<1x128x32xf32, #tpu.memory_space<vmem>> -> memref<128x32xf32, #tpu.memory_space<vmem>>
        %dma_start3A_63 = arith.constant 0 : i32
        %dma_start3A_64 = tpu.memref_slice %arg4[%add3A_44, %dma_start3A_63] : memref<131072x32xf32, #tpu.memory_space<hbm>> -> memref<128x32xf32, #tpu.memory_space<hbm>>
        %dma_start3A_65 = arith.constant 0 : i32
        %dma_start3A_66 = tpu.memref_slice %arg4[%add3A_44, %dma_start3A_65] : memref<131072x32xf32, #tpu.memory_space<hbm>> -> memref<128x32xf32, #tpu.memory_space<hbm>>
        %dma_start3A_67 = arith.constant 0 : i32
        %dma_start3A_68 = arith.constant 0 : i32
        %dma_start3A_69 = tpu.memref_slice %arg6[%run_scoped3A, %dma_start3A_67, %dma_start3A_68] : memref<2x128x32xf32, #tpu.memory_space<vmem>> -> memref<1x128x32xf32, #tpu.memory_space<vmem>>
        %dma_start3A_70 = tpu.memref_squeeze %dma_start3A_69 : memref<1x128x32xf32, #tpu.memory_space<vmem>> -> memref<128x32xf32, #tpu.memory_space<vmem>>
        tpu.enqueue_dma source(%dma_start3A_70 : memref<128x32xf32, #tpu.memory_space<vmem>>) target(%dma_start3A_66 : memref<128x32xf32, #tpu.memory_space<hbm>>) target_semaphore(%run_scoped3A_58 : memref<!tpu.dma_semaphore, #tpu.memory_space<semaphore_mem>>)
        %dma_wait3A_71 = arith.constant 0 : i32
        %dma_wait3A_72 = arith.constant 0 : i32
        %dma_wait3A_73 = tpu.memref_slice %arg6[%run_scoped3A, %dma_wait3A_71, %dma_wait3A_72] : memref<2x128x32xf32, #tpu.memory_space<vmem>> -> memref<1x128x32xf32, #tpu.memory_space<vmem>>
        %dma_wait3A_74 = tpu.memref_squeeze %dma_wait3A_73 : memref<1x128x32xf32, #tpu.memory_space<vmem>> -> memref<128x32xf32, #tpu.memory_space<vmem>>
        %dma_wait3A_75 = arith.constant 0 : i32
        %dma_wait3A_76 = tpu.memref_slice %arg4[%add3A_44, %dma_wait3A_75] : memref<131072x32xf32, #tpu.memory_space<hbm>> -> memref<128x32xf32, #tpu.memory_space<hbm>>
        %dma_wait3A_77 = arith.constant 0 : i32
        %dma_wait3A_78 = tpu.memref_slice %arg4[%add3A_44, %dma_wait3A_77] : memref<131072x32xf32, #tpu.memory_space<hbm>> -> memref<128x32xf32, #tpu.memory_space<hbm>>
        %dma_wait3A_79 = arith.constant 0 : i32
        %dma_wait3A_80 = arith.constant 0 : i32
        %dma_wait3A_81 = tpu.memref_slice %arg6[%run_scoped3A, %dma_wait3A_79, %dma_wait3A_80] : memref<2x128x32xf32, #tpu.memory_space<vmem>> -> memref<1x128x32xf32, #tpu.memory_space<vmem>>
        %dma_wait3A_82 = tpu.memref_squeeze %dma_wait3A_81 : memref<1x128x32xf32, #tpu.memory_space<vmem>> -> memref<128x32xf32, #tpu.memory_space<vmem>>
        tpu.wait_dma2 semaphore(%run_scoped3A_58 : memref<!tpu.dma_semaphore, #tpu.memory_space<semaphore_mem>>) src(%dma_wait3A_82 : memref<128x32xf32, #tpu.memory_space<vmem>>) dst(%dma_wait3A_78 : memref<128x32xf32, #tpu.memory_space<hbm>>)
        tpu.yield
      }) : () -> ()
      %dma_wait3A_45 = arith.constant 1 : i32
      %dma_wait3A_46 = arith.constant 0 : i32
      %dma_wait3A_47 = arith.constant 0 : i32
      %dma_wait3A_48 = tpu.memref_slice %arg6[%dma_wait3A_45, %dma_wait3A_46, %dma_wait3A_47] : memref<2x128x32xf32, #tpu.memory_space<vmem>> -> memref<1x128x32xf32, #tpu.memory_space<vmem>>
      %dma_wait3A_49 = tpu.memref_squeeze %dma_wait3A_48 : memref<1x128x32xf32, #tpu.memory_space<vmem>> -> memref<128x32xf32, #tpu.memory_space<vmem>>
      %dma_wait3A_50 = tpu.memref_slice %arg5[%mul3A_24] : memref<4096xi32, #tpu.memory_space<vmem>> -> memref<128xi32, #tpu.memory_space<vmem>>
      %dma_wait3A_51 = arith.constant 0 : i32
      %dma_wait3A_52 = arith.constant 0 : i32
      %dma_wait3A_53 = tpu.memref_slice %arg3[%dma_wait3A_51, %dma_wait3A_52] : memref<32768x32xf32, #tpu.memory_space<hbm>> -> memref<32768x32xf32, #tpu.memory_space<hbm>>
      tpu.wait_indirect_dma semaphore(%arg8 : memref<!tpu.dma_semaphore, #tpu.memory_space<semaphore_mem>>) src(%dma_wait3A_53 : memref<32768x32xf32, #tpu.memory_space<hbm>>) dst(%dma_wait3A_49 : memref<128x32xf32, #tpu.memory_space<vmem>>)
      %mul3A_54 = arith.constant 128 : i32
      %mul3A_55 = arith.muli %add3A_12, %mul3A_54 : i32
      %add3A_56 = arith.addi %mul3A_2, %mul3A_55 : i32
      %run_scoped3A_57 = arith.constant 1 : i32
      "tpu.region"() ({
        %run_scoped3A_58 = tpu.sem_alloc : memref<!tpu.dma_semaphore, #tpu.memory_space<semaphore_mem>>
        %dma_start3A_59 = arith.constant 0 : i32
        %dma_start3A_60 = arith.constant 0 : i32
        %dma_start3A_61 = tpu.memref_slice %arg6[%run_scoped3A_57, %dma_start3A_59, %dma_start3A_60] : memref<2x128x32xf32, #tpu.memory_space<vmem>> -> memref<1x128x32xf32, #tpu.memory_space<vmem>>
        %dma_start3A_62 = tpu.memref_squeeze %dma_start3A_61 : memref<1x128x32xf32, #tpu.memory_space<vmem>> -> memref<128x32xf32, #tpu.memory_space<vmem>>
        %dma_start3A_63 = arith.constant 0 : i32
        %dma_start3A_64 = tpu.memref_slice %arg4[%add3A_56, %dma_start3A_63] : memref<131072x32xf32, #tpu.memory_space<hbm>> -> memref<128x32xf32, #tpu.memory_space<hbm>>
        %dma_start3A_65 = arith.constant 0 : i32
        %dma_start3A_66 = tpu.memref_slice %arg4[%add3A_56, %dma_start3A_65] : memref<131072x32xf32, #tpu.memory_space<hbm>> -> memref<128x32xf32, #tpu.memory_space<hbm>>
        %dma_start3A_67 = arith.constant 0 : i32
        %dma_start3A_68 = arith.constant 0 : i32
        %dma_start3A_69 = tpu.memref_slice %arg6[%run_scoped3A_57, %dma_start3A_67, %dma_start3A_68] : memref<2x128x32xf32, #tpu.memory_space<vmem>> -> memref<1x128x32xf32, #tpu.memory_space<vmem>>
        %dma_start3A_70 = tpu.memref_squeeze %dma_start3A_69 : memref<1x128x32xf32, #tpu.memory_space<vmem>> -> memref<128x32xf32, #tpu.memory_space<vmem>>
        tpu.enqueue_dma source(%dma_start3A_70 : memref<128x32xf32, #tpu.memory_space<vmem>>) target(%dma_start3A_66 : memref<128x32xf32, #tpu.memory_space<hbm>>) target_semaphore(%run_scoped3A_58 : memref<!tpu.dma_semaphore, #tpu.memory_space<semaphore_mem>>)
        %dma_wait3A_71 = arith.constant 0 : i32
        %dma_wait3A_72 = arith.constant 0 : i32
        %dma_wait3A_73 = tpu.memref_slice %arg6[%run_scoped3A_57, %dma_wait3A_71, %dma_wait3A_72] : memref<2x128x32xf32, #tpu.memory_space<vmem>> -> memref<1x128x32xf32, #tpu.memory_space<vmem>>
        %dma_wait3A_74 = tpu.memref_squeeze %dma_wait3A_73 : memref<1x128x32xf32, #tpu.memory_space<vmem>> -> memref<128x32xf32, #tpu.memory_space<vmem>>
        %dma_wait3A_75 = arith.constant 0 : i32
        %dma_wait3A_76 = tpu.memref_slice %arg4[%add3A_56, %dma_wait3A_75] : memref<131072x32xf32, #tpu.memory_space<hbm>> -> memref<128x32xf32, #tpu.memory_space<hbm>>
        %dma_wait3A_77 = arith.constant 0 : i32
        %dma_wait3A_78 = tpu.memref_slice %arg4[%add3A_56, %dma_wait3A_77] : memref<131072x32xf32, #tpu.memory_space<hbm>> -> memref<128x32xf32, #tpu.memory_space<hbm>>
        %dma_wait3A_79 = arith.constant 0 : i32
        %dma_wait3A_80 = arith.constant 0 : i32
        %dma_wait3A_81 = tpu.memref_slice %arg6[%run_scoped3A_57, %dma_wait3A_79, %dma_wait3A_80] : memref<2x128x32xf32, #tpu.memory_space<vmem>> -> memref<1x128x32xf32, #tpu.memory_space<vmem>>
        %dma_wait3A_82 = tpu.memref_squeeze %dma_wait3A_81 : memref<1x128x32xf32, #tpu.memory_space<vmem>> -> memref<128x32xf32, #tpu.memory_space<vmem>>
        tpu.wait_dma2 semaphore(%run_scoped3A_58 : memref<!tpu.dma_semaphore, #tpu.memory_space<semaphore_mem>>) src(%dma_wait3A_82 : memref<128x32xf32, #tpu.memory_space<vmem>>) dst(%dma_wait3A_78 : memref<128x32xf32, #tpu.memory_space<hbm>>)
        tpu.yield
      }) : () -> ()
    }
    %scan3A_7 = arith.constant 16 : i32
    return
  }
}

module attributes {stable_mosaic.version = 14 : i64} {
  func.func @_fps_kernel(%arg0: i32, %arg1: memref<4x3x8x1024xf32, #tpu.memory_space<vmem>>, %arg2: memref<4x3x8192xf32, #tpu.memory_space<smem>>, %arg3: memref<4x3x1024xf32, #tpu.memory_space<smem>>) attributes {dimension_semantics = [#tpu.dimension_semantics<parallel>], iteration_bounds = array<i64: 1>, scalar_prefetch = 0 : i64, scratch_operands = 0 : i64, tpu.core_type = #tpu.core_type<tc>, window_params = [{transform_indices = @transform_0, window_bounds = array<i64: 4, 3, 8, 1024>}, {transform_indices = @transform_1, window_bounds = array<i64: 4, 3, 8192>}, {transform_indices = @transform_2, window_bounds = array<i64: 4, 3, 1024>}]} {
    %iota3A = tpu.iota {dimensions = array<i32: 0>} : vector<8x1024xi32>
    %mul3A = arith.constant 1024 : i32
    %mul3A_0 = vector.broadcast %mul3A : i32 to vector<8x1024xi32>
    %mul3A_1 = arith.muli %iota3A, %mul3A_0 : vector<8x1024xi32>
    %iota3A_2 = tpu.iota {dimensions = array<i32: 1>} : vector<8x1024xi32>
    %add3A = arith.addi %mul3A_1, %iota3A_2 : vector<8x1024xi32>
    %get3A = arith.constant 0 : index
    %get3A_3 = arith.constant 0 : index
    %get3A_4 = arith.constant 0 : index
    %get3A_5 = arith.constant 0 : index
    %get3A_6 = vector.load %arg1[%get3A, %get3A_3, %get3A_4, %get3A_5] : memref<4x3x8x1024xf32, #tpu.memory_space<vmem>>, vector<1x1x8x1024xf32>
    %get3A_7 = vector.shape_cast %get3A_6 : vector<1x1x8x1024xf32> to vector<8x1024xf32>
    %get3A_8 = arith.constant 0 : index
    %get3A_9 = arith.constant 1 : index
    %get3A_10 = arith.constant 0 : index
    %get3A_11 = arith.constant 0 : index
    %get3A_12 = vector.load %arg1[%get3A_8, %get3A_9, %get3A_10, %get3A_11] : memref<4x3x8x1024xf32, #tpu.memory_space<vmem>>, vector<1x1x8x1024xf32>
    %get3A_13 = vector.shape_cast %get3A_12 : vector<1x1x8x1024xf32> to vector<8x1024xf32>
    %get3A_14 = arith.constant 0 : index
    %get3A_15 = arith.constant 2 : index
    %get3A_16 = arith.constant 0 : index
    %get3A_17 = arith.constant 0 : index
    %get3A_18 = vector.load %arg1[%get3A_14, %get3A_15, %get3A_16, %get3A_17] : memref<4x3x8x1024xf32, #tpu.memory_space<vmem>>, vector<1x1x8x1024xf32>
    %get3A_19 = vector.shape_cast %get3A_18 : vector<1x1x8x1024xf32> to vector<8x1024xf32>
    %get3A_20 = arith.constant 1 : index
    %get3A_21 = arith.constant 0 : index
    %get3A_22 = arith.constant 0 : index
    %get3A_23 = arith.constant 0 : index
    %get3A_24 = vector.load %arg1[%get3A_20, %get3A_21, %get3A_22, %get3A_23] : memref<4x3x8x1024xf32, #tpu.memory_space<vmem>>, vector<1x1x8x1024xf32>
    %get3A_25 = vector.shape_cast %get3A_24 : vector<1x1x8x1024xf32> to vector<8x1024xf32>
    %get3A_26 = arith.constant 1 : index
    %get3A_27 = arith.constant 1 : index
    %get3A_28 = arith.constant 0 : index
    %get3A_29 = arith.constant 0 : index
    %get3A_30 = vector.load %arg1[%get3A_26, %get3A_27, %get3A_28, %get3A_29] : memref<4x3x8x1024xf32, #tpu.memory_space<vmem>>, vector<1x1x8x1024xf32>
    %get3A_31 = vector.shape_cast %get3A_30 : vector<1x1x8x1024xf32> to vector<8x1024xf32>
    %get3A_32 = arith.constant 1 : index
    %get3A_33 = arith.constant 2 : index
    %get3A_34 = arith.constant 0 : index
    %get3A_35 = arith.constant 0 : index
    %get3A_36 = vector.load %arg1[%get3A_32, %get3A_33, %get3A_34, %get3A_35] : memref<4x3x8x1024xf32, #tpu.memory_space<vmem>>, vector<1x1x8x1024xf32>
    %get3A_37 = vector.shape_cast %get3A_36 : vector<1x1x8x1024xf32> to vector<8x1024xf32>
    %get3A_38 = arith.constant 2 : index
    %get3A_39 = arith.constant 0 : index
    %get3A_40 = arith.constant 0 : index
    %get3A_41 = arith.constant 0 : index
    %get3A_42 = vector.load %arg1[%get3A_38, %get3A_39, %get3A_40, %get3A_41] : memref<4x3x8x1024xf32, #tpu.memory_space<vmem>>, vector<1x1x8x1024xf32>
    %get3A_43 = vector.shape_cast %get3A_42 : vector<1x1x8x1024xf32> to vector<8x1024xf32>
    %get3A_44 = arith.constant 2 : index
    %get3A_45 = arith.constant 1 : index
    %get3A_46 = arith.constant 0 : index
    %get3A_47 = arith.constant 0 : index
    %get3A_48 = vector.load %arg1[%get3A_44, %get3A_45, %get3A_46, %get3A_47] : memref<4x3x8x1024xf32, #tpu.memory_space<vmem>>, vector<1x1x8x1024xf32>
    %get3A_49 = vector.shape_cast %get3A_48 : vector<1x1x8x1024xf32> to vector<8x1024xf32>
    %get3A_50 = arith.constant 2 : index
    %get3A_51 = arith.constant 2 : index
    %get3A_52 = arith.constant 0 : index
    %get3A_53 = arith.constant 0 : index
    %get3A_54 = vector.load %arg1[%get3A_50, %get3A_51, %get3A_52, %get3A_53] : memref<4x3x8x1024xf32, #tpu.memory_space<vmem>>, vector<1x1x8x1024xf32>
    %get3A_55 = vector.shape_cast %get3A_54 : vector<1x1x8x1024xf32> to vector<8x1024xf32>
    %get3A_56 = arith.constant 3 : index
    %get3A_57 = arith.constant 0 : index
    %get3A_58 = arith.constant 0 : index
    %get3A_59 = arith.constant 0 : index
    %get3A_60 = vector.load %arg1[%get3A_56, %get3A_57, %get3A_58, %get3A_59] : memref<4x3x8x1024xf32, #tpu.memory_space<vmem>>, vector<1x1x8x1024xf32>
    %get3A_61 = vector.shape_cast %get3A_60 : vector<1x1x8x1024xf32> to vector<8x1024xf32>
    %get3A_62 = arith.constant 3 : index
    %get3A_63 = arith.constant 1 : index
    %get3A_64 = arith.constant 0 : index
    %get3A_65 = arith.constant 0 : index
    %get3A_66 = vector.load %arg1[%get3A_62, %get3A_63, %get3A_64, %get3A_65] : memref<4x3x8x1024xf32, #tpu.memory_space<vmem>>, vector<1x1x8x1024xf32>
    %get3A_67 = vector.shape_cast %get3A_66 : vector<1x1x8x1024xf32> to vector<8x1024xf32>
    %get3A_68 = arith.constant 3 : index
    %get3A_69 = arith.constant 2 : index
    %get3A_70 = arith.constant 0 : index
    %get3A_71 = arith.constant 0 : index
    %get3A_72 = vector.load %arg1[%get3A_68, %get3A_69, %get3A_70, %get3A_71] : memref<4x3x8x1024xf32, #tpu.memory_space<vmem>>, vector<1x1x8x1024xf32>
    %get3A_73 = vector.shape_cast %get3A_72 : vector<1x1x8x1024xf32> to vector<8x1024xf32>
    %broadcast_in_dim3A = arith.constant 1.000000e+10 : f32
    %broadcast_in_dim3A_74 = vector.broadcast %broadcast_in_dim3A : f32 to vector<8x1024xf32>
    %scan3A = arith.constant 0 : i32
    %scan3A_75 = arith.constant 0 : i32
    %scan3A_76 = arith.constant 0 : i32
    %scan3A_77 = arith.constant 0 : i32
    %scan3A_78 = arith.constant 0 : i32
    %scan3A_79 = arith.constant 1024 : i32
    %scan3A_80 = arith.addi %scan3A_78, %scan3A_79 : i32
    %scan3A_81 = arith.constant 1 : i32
    %scan3A_82:8 = scf.for %scan3A_84 = %scan3A_78 to %scan3A_80 step %scan3A_81 iter_args(%scan3A_85 = %broadcast_in_dim3A_74, %scan3A_86 = %scan3A, %scan3A_87 = %broadcast_in_dim3A_74, %scan3A_88 = %scan3A_75, %scan3A_89 = %broadcast_in_dim3A_74, %scan3A_90 = %scan3A_76, %scan3A_91 = %broadcast_in_dim3A_74, %scan3A_92 = %scan3A_77) -> (vector<8x1024xf32>, i32, vector<8x1024xf32>, i32, vector<8x1024xf32>, i32, vector<8x1024xf32>, i32)  : i32 {
      %get3A_93 = arith.constant 0 : index
      %get3A_94 = arith.constant 0 : index
      %get3A_95 = arith.index_cast %scan3A_86 : i32 to index
      %get3A_96 = memref.load %arg2[%get3A_93, %get3A_94, %get3A_95] : memref<4x3x8192xf32, #tpu.memory_space<smem>>
      %get3A_97 = arith.constant 0 : index
      %get3A_98 = arith.constant 1 : index
      %get3A_99 = arith.index_cast %scan3A_86 : i32 to index
      %get3A_100 = memref.load %arg2[%get3A_97, %get3A_98, %get3A_99] : memref<4x3x8192xf32, #tpu.memory_space<smem>>
      %get3A_101 = arith.constant 0 : index
      %get3A_102 = arith.constant 2 : index
      %get3A_103 = arith.index_cast %scan3A_86 : i32 to index
      %get3A_104 = memref.load %arg2[%get3A_101, %get3A_102, %get3A_103] : memref<4x3x8192xf32, #tpu.memory_space<smem>>
      %swap3A = arith.constant 0 : index
      %swap3A_105 = arith.constant 0 : index
      %swap3A_106 = arith.index_cast %scan3A_84 : i32 to index
      %swap3A_107 = memref.load %arg3[%swap3A, %swap3A_105, %swap3A_106] : memref<4x3x1024xf32, #tpu.memory_space<smem>>
      memref.store %get3A_96, %arg3[%swap3A, %swap3A_105, %swap3A_106] : memref<4x3x1024xf32, #tpu.memory_space<smem>>
      %swap3A_108 = arith.constant 0 : index
      %swap3A_109 = arith.constant 1 : index
      %swap3A_110 = arith.index_cast %scan3A_84 : i32 to index
      %swap3A_111 = memref.load %arg3[%swap3A_108, %swap3A_109, %swap3A_110] : memref<4x3x1024xf32, #tpu.memory_space<smem>>
      memref.store %get3A_100, %arg3[%swap3A_108, %swap3A_109, %swap3A_110] : memref<4x3x1024xf32, #tpu.memory_space<smem>>
      %swap3A_112 = arith.constant 0 : index
      %swap3A_113 = arith.constant 2 : index
      %swap3A_114 = arith.index_cast %scan3A_84 : i32 to index
      %swap3A_115 = memref.load %arg3[%swap3A_112, %swap3A_113, %swap3A_114] : memref<4x3x1024xf32, #tpu.memory_space<smem>>
      memref.store %get3A_104, %arg3[%swap3A_112, %swap3A_113, %swap3A_114] : memref<4x3x1024xf32, #tpu.memory_space<smem>>
      %sub3A = vector.broadcast %get3A_96 : f32 to vector<8x1024xf32>
      %sub3A_116 = arith.subf %get3A_7, %sub3A : vector<8x1024xf32>
      %sub3A_117 = vector.broadcast %get3A_100 : f32 to vector<8x1024xf32>
      %sub3A_118 = arith.subf %get3A_13, %sub3A_117 : vector<8x1024xf32>
      %sub3A_119 = vector.broadcast %get3A_104 : f32 to vector<8x1024xf32>
      %sub3A_120 = arith.subf %get3A_19, %sub3A_119 : vector<8x1024xf32>
      %mul3A_121 = arith.mulf %sub3A_116, %sub3A_116 : vector<8x1024xf32>
      %mul3A_122 = arith.mulf %sub3A_118, %sub3A_118 : vector<8x1024xf32>
      %add3A_123 = arith.addf %mul3A_121, %mul3A_122 : vector<8x1024xf32>
      %mul3A_124 = arith.mulf %sub3A_120, %sub3A_120 : vector<8x1024xf32>
      %add3A_125 = arith.addf %add3A_123, %mul3A_124 : vector<8x1024xf32>
      %min3A = arith.minimumf %scan3A_85, %add3A_125 : vector<8x1024xf32>
      %reduce_max3A = vector.shape_cast %min3A : vector<8x1024xf32> to vector<1x8x1024xf32>
      %reduce_max3A_126 = arith.constant dense<0xFF800000> : vector<1xf32>
      %reduce_max3A_127 = vector.multi_reduction <maximumf>, %reduce_max3A, %reduce_max3A_126 [1, 2] : vector<1x8x1024xf32> to vector<1xf32>
      %reduce_max3A_128 = vector.shape_cast %reduce_max3A_127 : vector<1xf32> to vector<1x1x1xf32>
      %reduce_max3A_129 = vector.extract %reduce_max3A_128[0, 0, 0] : f32 from vector<1x1x1xf32>
      %eq3A = vector.broadcast %reduce_max3A_129 : f32 to vector<8x1024xf32>
      %eq3A_130 = arith.cmpf oeq, %min3A, %eq3A : vector<8x1024xf32>
      %jit3A = arith.constant 1073741824 : i32
      %broadcast_in_dim3A_131 = vector.broadcast %jit3A : i32 to vector<8x1024xi32>
      %select_n3A = arith.select %eq3A_130, %add3A, %broadcast_in_dim3A_131 : vector<8x1024xi1>, vector<8x1024xi32>
      %reduce_min3A = vector.shape_cast %select_n3A : vector<8x1024xi32> to vector<1x8x1024xi32>
      %reduce_min3A_132 = arith.constant dense<2147483647> : vector<1xi32>
      %reduce_min3A_133 = vector.multi_reduction <minsi>, %reduce_min3A, %reduce_min3A_132 [1, 2] : vector<1x8x1024xi32> to vector<1xi32>
      %reduce_min3A_134 = vector.shape_cast %reduce_min3A_133 : vector<1xi32> to vector<1x1x1xi32>
      %reduce_min3A_135 = vector.extract %reduce_min3A_134[0, 0, 0] : i32 from vector<1x1x1xi32>
      %get3A_136 = arith.constant 1 : index
      %get3A_137 = arith.constant 0 : index
      %get3A_138 = arith.index_cast %scan3A_88 : i32 to index
      %get3A_139 = memref.load %arg2[%get3A_136, %get3A_137, %get3A_138] : memref<4x3x8192xf32, #tpu.memory_space<smem>>
      %get3A_140 = arith.constant 1 : index
      %get3A_141 = arith.constant 1 : index
      %get3A_142 = arith.index_cast %scan3A_88 : i32 to index
      %get3A_143 = memref.load %arg2[%get3A_140, %get3A_141, %get3A_142] : memref<4x3x8192xf32, #tpu.memory_space<smem>>
      %get3A_144 = arith.constant 1 : index
      %get3A_145 = arith.constant 2 : index
      %get3A_146 = arith.index_cast %scan3A_88 : i32 to index
      %get3A_147 = memref.load %arg2[%get3A_144, %get3A_145, %get3A_146] : memref<4x3x8192xf32, #tpu.memory_space<smem>>
      %swap3A_148 = arith.constant 1 : index
      %swap3A_149 = arith.constant 0 : index
      %swap3A_150 = arith.index_cast %scan3A_84 : i32 to index
      %swap3A_151 = memref.load %arg3[%swap3A_148, %swap3A_149, %swap3A_150] : memref<4x3x1024xf32, #tpu.memory_space<smem>>
      memref.store %get3A_139, %arg3[%swap3A_148, %swap3A_149, %swap3A_150] : memref<4x3x1024xf32, #tpu.memory_space<smem>>
      %swap3A_152 = arith.constant 1 : index
      %swap3A_153 = arith.constant 1 : index
      %swap3A_154 = arith.index_cast %scan3A_84 : i32 to index
      %swap3A_155 = memref.load %arg3[%swap3A_152, %swap3A_153, %swap3A_154] : memref<4x3x1024xf32, #tpu.memory_space<smem>>
      memref.store %get3A_143, %arg3[%swap3A_152, %swap3A_153, %swap3A_154] : memref<4x3x1024xf32, #tpu.memory_space<smem>>
      %swap3A_156 = arith.constant 1 : index
      %swap3A_157 = arith.constant 2 : index
      %swap3A_158 = arith.index_cast %scan3A_84 : i32 to index
      %swap3A_159 = memref.load %arg3[%swap3A_156, %swap3A_157, %swap3A_158] : memref<4x3x1024xf32, #tpu.memory_space<smem>>
      memref.store %get3A_147, %arg3[%swap3A_156, %swap3A_157, %swap3A_158] : memref<4x3x1024xf32, #tpu.memory_space<smem>>
      %sub3A_160 = vector.broadcast %get3A_139 : f32 to vector<8x1024xf32>
      %sub3A_161 = arith.subf %get3A_25, %sub3A_160 : vector<8x1024xf32>
      %sub3A_162 = vector.broadcast %get3A_143 : f32 to vector<8x1024xf32>
      %sub3A_163 = arith.subf %get3A_31, %sub3A_162 : vector<8x1024xf32>
      %sub3A_164 = vector.broadcast %get3A_147 : f32 to vector<8x1024xf32>
      %sub3A_165 = arith.subf %get3A_37, %sub3A_164 : vector<8x1024xf32>
      %mul3A_166 = arith.mulf %sub3A_161, %sub3A_161 : vector<8x1024xf32>
      %mul3A_167 = arith.mulf %sub3A_163, %sub3A_163 : vector<8x1024xf32>
      %add3A_168 = arith.addf %mul3A_166, %mul3A_167 : vector<8x1024xf32>
      %mul3A_169 = arith.mulf %sub3A_165, %sub3A_165 : vector<8x1024xf32>
      %add3A_170 = arith.addf %add3A_168, %mul3A_169 : vector<8x1024xf32>
      %min3A_171 = arith.minimumf %scan3A_87, %add3A_170 : vector<8x1024xf32>
      %reduce_max3A_172 = vector.shape_cast %min3A_171 : vector<8x1024xf32> to vector<1x8x1024xf32>
      %reduce_max3A_173 = arith.constant dense<0xFF800000> : vector<1xf32>
      %reduce_max3A_174 = vector.multi_reduction <maximumf>, %reduce_max3A_172, %reduce_max3A_173 [1, 2] : vector<1x8x1024xf32> to vector<1xf32>
      %reduce_max3A_175 = vector.shape_cast %reduce_max3A_174 : vector<1xf32> to vector<1x1x1xf32>
      %reduce_max3A_176 = vector.extract %reduce_max3A_175[0, 0, 0] : f32 from vector<1x1x1xf32>
      %eq3A_177 = vector.broadcast %reduce_max3A_176 : f32 to vector<8x1024xf32>
      %eq3A_178 = arith.cmpf oeq, %min3A_171, %eq3A_177 : vector<8x1024xf32>
      %jit3A_179 = arith.constant 1073741824 : i32
      %broadcast_in_dim3A_180 = vector.broadcast %jit3A_179 : i32 to vector<8x1024xi32>
      %select_n3A_181 = arith.select %eq3A_178, %add3A, %broadcast_in_dim3A_180 : vector<8x1024xi1>, vector<8x1024xi32>
      %reduce_min3A_182 = vector.shape_cast %select_n3A_181 : vector<8x1024xi32> to vector<1x8x1024xi32>
      %reduce_min3A_183 = arith.constant dense<2147483647> : vector<1xi32>
      %reduce_min3A_184 = vector.multi_reduction <minsi>, %reduce_min3A_182, %reduce_min3A_183 [1, 2] : vector<1x8x1024xi32> to vector<1xi32>
      %reduce_min3A_185 = vector.shape_cast %reduce_min3A_184 : vector<1xi32> to vector<1x1x1xi32>
      %reduce_min3A_186 = vector.extract %reduce_min3A_185[0, 0, 0] : i32 from vector<1x1x1xi32>
      %get3A_187 = arith.constant 2 : index
      %get3A_188 = arith.constant 0 : index
      %get3A_189 = arith.index_cast %scan3A_90 : i32 to index
      %get3A_190 = memref.load %arg2[%get3A_187, %get3A_188, %get3A_189] : memref<4x3x8192xf32, #tpu.memory_space<smem>>
      %get3A_191 = arith.constant 2 : index
      %get3A_192 = arith.constant 1 : index
      %get3A_193 = arith.index_cast %scan3A_90 : i32 to index
      %get3A_194 = memref.load %arg2[%get3A_191, %get3A_192, %get3A_193] : memref<4x3x8192xf32, #tpu.memory_space<smem>>
      %get3A_195 = arith.constant 2 : index
      %get3A_196 = arith.constant 2 : index
      %get3A_197 = arith.index_cast %scan3A_90 : i32 to index
      %get3A_198 = memref.load %arg2[%get3A_195, %get3A_196, %get3A_197] : memref<4x3x8192xf32, #tpu.memory_space<smem>>
      %swap3A_199 = arith.constant 2 : index
      %swap3A_200 = arith.constant 0 : index
      %swap3A_201 = arith.index_cast %scan3A_84 : i32 to index
      %swap3A_202 = memref.load %arg3[%swap3A_199, %swap3A_200, %swap3A_201] : memref<4x3x1024xf32, #tpu.memory_space<smem>>
      memref.store %get3A_190, %arg3[%swap3A_199, %swap3A_200, %swap3A_201] : memref<4x3x1024xf32, #tpu.memory_space<smem>>
      %swap3A_203 = arith.constant 2 : index
      %swap3A_204 = arith.constant 1 : index
      %swap3A_205 = arith.index_cast %scan3A_84 : i32 to index
      %swap3A_206 = memref.load %arg3[%swap3A_203, %swap3A_204, %swap3A_205] : memref<4x3x1024xf32, #tpu.memory_space<smem>>
      memref.store %get3A_194, %arg3[%swap3A_203, %swap3A_204, %swap3A_205] : memref<4x3x1024xf32, #tpu.memory_space<smem>>
      %swap3A_207 = arith.constant 2 : index
      %swap3A_208 = arith.constant 2 : index
      %swap3A_209 = arith.index_cast %scan3A_84 : i32 to index
      %swap3A_210 = memref.load %arg3[%swap3A_207, %swap3A_208, %swap3A_209] : memref<4x3x1024xf32, #tpu.memory_space<smem>>
      memref.store %get3A_198, %arg3[%swap3A_207, %swap3A_208, %swap3A_209] : memref<4x3x1024xf32, #tpu.memory_space<smem>>
      %sub3A_211 = vector.broadcast %get3A_190 : f32 to vector<8x1024xf32>
      %sub3A_212 = arith.subf %get3A_43, %sub3A_211 : vector<8x1024xf32>
      %sub3A_213 = vector.broadcast %get3A_194 : f32 to vector<8x1024xf32>
      %sub3A_214 = arith.subf %get3A_49, %sub3A_213 : vector<8x1024xf32>
      %sub3A_215 = vector.broadcast %get3A_198 : f32 to vector<8x1024xf32>
      %sub3A_216 = arith.subf %get3A_55, %sub3A_215 : vector<8x1024xf32>
      %mul3A_217 = arith.mulf %sub3A_212, %sub3A_212 : vector<8x1024xf32>
      %mul3A_218 = arith.mulf %sub3A_214, %sub3A_214 : vector<8x1024xf32>
      %add3A_219 = arith.addf %mul3A_217, %mul3A_218 : vector<8x1024xf32>
      %mul3A_220 = arith.mulf %sub3A_216, %sub3A_216 : vector<8x1024xf32>
      %add3A_221 = arith.addf %add3A_219, %mul3A_220 : vector<8x1024xf32>
      %min3A_222 = arith.minimumf %scan3A_89, %add3A_221 : vector<8x1024xf32>
      %reduce_max3A_223 = vector.shape_cast %min3A_222 : vector<8x1024xf32> to vector<1x8x1024xf32>
      %reduce_max3A_224 = arith.constant dense<0xFF800000> : vector<1xf32>
      %reduce_max3A_225 = vector.multi_reduction <maximumf>, %reduce_max3A_223, %reduce_max3A_224 [1, 2] : vector<1x8x1024xf32> to vector<1xf32>
      %reduce_max3A_226 = vector.shape_cast %reduce_max3A_225 : vector<1xf32> to vector<1x1x1xf32>
      %reduce_max3A_227 = vector.extract %reduce_max3A_226[0, 0, 0] : f32 from vector<1x1x1xf32>
      %eq3A_228 = vector.broadcast %reduce_max3A_227 : f32 to vector<8x1024xf32>
      %eq3A_229 = arith.cmpf oeq, %min3A_222, %eq3A_228 : vector<8x1024xf32>
      %jit3A_230 = arith.constant 1073741824 : i32
      %broadcast_in_dim3A_231 = vector.broadcast %jit3A_230 : i32 to vector<8x1024xi32>
      %select_n3A_232 = arith.select %eq3A_229, %add3A, %broadcast_in_dim3A_231 : vector<8x1024xi1>, vector<8x1024xi32>
      %reduce_min3A_233 = vector.shape_cast %select_n3A_232 : vector<8x1024xi32> to vector<1x8x1024xi32>
      %reduce_min3A_234 = arith.constant dense<2147483647> : vector<1xi32>
      %reduce_min3A_235 = vector.multi_reduction <minsi>, %reduce_min3A_233, %reduce_min3A_234 [1, 2] : vector<1x8x1024xi32> to vector<1xi32>
      %reduce_min3A_236 = vector.shape_cast %reduce_min3A_235 : vector<1xi32> to vector<1x1x1xi32>
      %reduce_min3A_237 = vector.extract %reduce_min3A_236[0, 0, 0] : i32 from vector<1x1x1xi32>
      %get3A_238 = arith.constant 3 : index
      %get3A_239 = arith.constant 0 : index
      %get3A_240 = arith.index_cast %scan3A_92 : i32 to index
      %get3A_241 = memref.load %arg2[%get3A_238, %get3A_239, %get3A_240] : memref<4x3x8192xf32, #tpu.memory_space<smem>>
      %get3A_242 = arith.constant 3 : index
      %get3A_243 = arith.constant 1 : index
      %get3A_244 = arith.index_cast %scan3A_92 : i32 to index
      %get3A_245 = memref.load %arg2[%get3A_242, %get3A_243, %get3A_244] : memref<4x3x8192xf32, #tpu.memory_space<smem>>
      %get3A_246 = arith.constant 3 : index
      %get3A_247 = arith.constant 2 : index
      %get3A_248 = arith.index_cast %scan3A_92 : i32 to index
      %get3A_249 = memref.load %arg2[%get3A_246, %get3A_247, %get3A_248] : memref<4x3x8192xf32, #tpu.memory_space<smem>>
      %swap3A_250 = arith.constant 3 : index
      %swap3A_251 = arith.constant 0 : index
      %swap3A_252 = arith.index_cast %scan3A_84 : i32 to index
      %swap3A_253 = memref.load %arg3[%swap3A_250, %swap3A_251, %swap3A_252] : memref<4x3x1024xf32, #tpu.memory_space<smem>>
      memref.store %get3A_241, %arg3[%swap3A_250, %swap3A_251, %swap3A_252] : memref<4x3x1024xf32, #tpu.memory_space<smem>>
      %swap3A_254 = arith.constant 3 : index
      %swap3A_255 = arith.constant 1 : index
      %swap3A_256 = arith.index_cast %scan3A_84 : i32 to index
      %swap3A_257 = memref.load %arg3[%swap3A_254, %swap3A_255, %swap3A_256] : memref<4x3x1024xf32, #tpu.memory_space<smem>>
      memref.store %get3A_245, %arg3[%swap3A_254, %swap3A_255, %swap3A_256] : memref<4x3x1024xf32, #tpu.memory_space<smem>>
      %swap3A_258 = arith.constant 3 : index
      %swap3A_259 = arith.constant 2 : index
      %swap3A_260 = arith.index_cast %scan3A_84 : i32 to index
      %swap3A_261 = memref.load %arg3[%swap3A_258, %swap3A_259, %swap3A_260] : memref<4x3x1024xf32, #tpu.memory_space<smem>>
      memref.store %get3A_249, %arg3[%swap3A_258, %swap3A_259, %swap3A_260] : memref<4x3x1024xf32, #tpu.memory_space<smem>>
      %sub3A_262 = vector.broadcast %get3A_241 : f32 to vector<8x1024xf32>
      %sub3A_263 = arith.subf %get3A_61, %sub3A_262 : vector<8x1024xf32>
      %sub3A_264 = vector.broadcast %get3A_245 : f32 to vector<8x1024xf32>
      %sub3A_265 = arith.subf %get3A_67, %sub3A_264 : vector<8x1024xf32>
      %sub3A_266 = vector.broadcast %get3A_249 : f32 to vector<8x1024xf32>
      %sub3A_267 = arith.subf %get3A_73, %sub3A_266 : vector<8x1024xf32>
      %mul3A_268 = arith.mulf %sub3A_263, %sub3A_263 : vector<8x1024xf32>
      %mul3A_269 = arith.mulf %sub3A_265, %sub3A_265 : vector<8x1024xf32>
      %add3A_270 = arith.addf %mul3A_268, %mul3A_269 : vector<8x1024xf32>
      %mul3A_271 = arith.mulf %sub3A_267, %sub3A_267 : vector<8x1024xf32>
      %add3A_272 = arith.addf %add3A_270, %mul3A_271 : vector<8x1024xf32>
      %min3A_273 = arith.minimumf %scan3A_91, %add3A_272 : vector<8x1024xf32>
      %reduce_max3A_274 = vector.shape_cast %min3A_273 : vector<8x1024xf32> to vector<1x8x1024xf32>
      %reduce_max3A_275 = arith.constant dense<0xFF800000> : vector<1xf32>
      %reduce_max3A_276 = vector.multi_reduction <maximumf>, %reduce_max3A_274, %reduce_max3A_275 [1, 2] : vector<1x8x1024xf32> to vector<1xf32>
      %reduce_max3A_277 = vector.shape_cast %reduce_max3A_276 : vector<1xf32> to vector<1x1x1xf32>
      %reduce_max3A_278 = vector.extract %reduce_max3A_277[0, 0, 0] : f32 from vector<1x1x1xf32>
      %eq3A_279 = vector.broadcast %reduce_max3A_278 : f32 to vector<8x1024xf32>
      %eq3A_280 = arith.cmpf oeq, %min3A_273, %eq3A_279 : vector<8x1024xf32>
      %jit3A_281 = arith.constant 1073741824 : i32
      %broadcast_in_dim3A_282 = vector.broadcast %jit3A_281 : i32 to vector<8x1024xi32>
      %select_n3A_283 = arith.select %eq3A_280, %add3A, %broadcast_in_dim3A_282 : vector<8x1024xi1>, vector<8x1024xi32>
      %reduce_min3A_284 = vector.shape_cast %select_n3A_283 : vector<8x1024xi32> to vector<1x8x1024xi32>
      %reduce_min3A_285 = arith.constant dense<2147483647> : vector<1xi32>
      %reduce_min3A_286 = vector.multi_reduction <minsi>, %reduce_min3A_284, %reduce_min3A_285 [1, 2] : vector<1x8x1024xi32> to vector<1xi32>
      %reduce_min3A_287 = vector.shape_cast %reduce_min3A_286 : vector<1xi32> to vector<1x1x1xi32>
      %reduce_min3A_288 = vector.extract %reduce_min3A_287[0, 0, 0] : i32 from vector<1x1x1xi32>
      scf.yield %min3A, %reduce_min3A_135, %min3A_171, %reduce_min3A_186, %min3A_222, %reduce_min3A_237, %min3A_273, %reduce_min3A_288 : vector<8x1024xf32>, i32, vector<8x1024xf32>, i32, vector<8x1024xf32>, i32, vector<8x1024xf32>, i32
    }
    %scan3A_83 = arith.constant 1024 : i32
    return
  }
  func.func @transform_0(%arg0: i32) -> (i32, i32, i32, i32) {
    %c0_i32 = arith.constant 0 : i32
    %c0_i32_0 = arith.constant 0 : i32
    %c0_i32_1 = arith.constant 0 : i32
    %c0_i32_2 = arith.constant 0 : i32
    return %arg0, %c0_i32, %c0_i32_0, %c0_i32_1 : i32, i32, i32, i32
  }
  func.func @transform_1(%arg0: i32) -> (i32, i32, i32) {
    %c0_i32 = arith.constant 0 : i32
    %c0_i32_0 = arith.constant 0 : i32
    %c0_i32_1 = arith.constant 0 : i32
    return %arg0, %c0_i32, %c0_i32_0 : i32, i32, i32
  }
  func.func @transform_2(%arg0: i32) -> (i32, i32, i32) {
    %c0_i32 = arith.constant 0 : i32
    %c0_i32_0 = arith.constant 0 : i32
    %c0_i32_1 = arith.constant 0 : i32
    return %arg0, %c0_i32, %c0_i32_0 : i32, i32, i32
  }
}

module attributes {stable_mosaic.version = 14 : i64} {
  func.func @_ballq_kernel(%arg0: i32, %arg1: i32, %arg2: memref<1x3x8x1024xf32, #tpu.memory_space<vmem>>, %arg3: memref<1x128x3xf32, #tpu.memory_space<vmem>>, %arg4: memref<1x1x128x32xi32, #tpu.memory_space<vmem>>, %arg5: memref<1x1x128x32xi32, #tpu.memory_space<vmem>>, %arg6: memref<128x1xi32, #tpu.memory_space<vmem>>) attributes {dimension_semantics = [#tpu.dimension_semantics<parallel>, #tpu.dimension_semantics<parallel>], iteration_bounds = array<i64: 4, 8>, scalar_prefetch = 0 : i64, scratch_operands = 1 : i64, tpu.core_type = #tpu.core_type<tc>, window_params = [{transform_indices = @transform_0, window_bounds = array<i64: 1, 3, 8, 1024>}, {transform_indices = @transform_1, window_bounds = array<i64: 1, 128, 3>}, {transform_indices = @transform_2, window_bounds = array<i64: 1, 1, 128, 32>}, {transform_indices = @transform_3, window_bounds = array<i64: 1, 1, 128, 32>}]} {
    %get3A = arith.constant 0 : index
    %get3A_0 = arith.constant 0 : index
    %get3A_1 = arith.constant 0 : index
    %get3A_2 = vector.load %arg3[%get3A, %get3A_0, %get3A_1] : memref<1x128x3xf32, #tpu.memory_space<vmem>>, vector<1x128x3xf32>
    %get3A_3 = vector.shape_cast %get3A_2 : vector<1x128x3xf32> to vector<128x3xf32>
    %slice3A = vector.extract_strided_slice %get3A_3 {offsets = [0, 0], sizes = [128, 1], strides = [1, 1]} : vector<128x3xf32> to vector<128x1xf32>
    %slice3A_4 = vector.extract_strided_slice %get3A_3 {offsets = [0, 1], sizes = [128, 1], strides = [1, 1]} : vector<128x3xf32> to vector<128x1xf32>
    %slice3A_5 = vector.extract_strided_slice %get3A_3 {offsets = [0, 2], sizes = [128, 1], strides = [1, 1]} : vector<128x3xf32> to vector<128x1xf32>
    %mul3A = arith.mulf %slice3A, %slice3A : vector<128x1xf32>
    %mul3A_6 = arith.mulf %slice3A_4, %slice3A_4 : vector<128x1xf32>
    %add3A = arith.addf %mul3A, %mul3A_6 : vector<128x1xf32>
    %mul3A_7 = arith.mulf %slice3A_5, %slice3A_5 : vector<128x1xf32>
    %add3A_8 = arith.addf %add3A, %mul3A_7 : vector<128x1xf32>
    %convert_element_type3A = arith.truncf %slice3A : vector<128x1xf32> to vector<128x1xbf16>
    %convert_element_type3A_9 = arith.extf %convert_element_type3A : vector<128x1xbf16> to vector<128x1xf32>
    %convert_element_type3A_10 = arith.truncf %slice3A_4 : vector<128x1xf32> to vector<128x1xbf16>
    %convert_element_type3A_11 = arith.extf %convert_element_type3A_10 : vector<128x1xbf16> to vector<128x1xf32>
    %convert_element_type3A_12 = arith.truncf %slice3A_5 : vector<128x1xf32> to vector<128x1xbf16>
    %convert_element_type3A_13 = arith.extf %convert_element_type3A_12 : vector<128x1xbf16> to vector<128x1xf32>
    %broadcast_in_dim3A = arith.constant 8192 : i32
    %broadcast_in_dim3A_14 = vector.broadcast %broadcast_in_dim3A : i32 to vector<128x32xi32>
    %swap3A = arith.constant 0 : index
    %swap3A_15 = arith.constant 0 : index
    %swap3A_16 = arith.constant 0 : index
    %swap3A_17 = arith.constant 0 : index
    %swap3A_18 = vector.load %arg4[%swap3A, %swap3A_15, %swap3A_16, %swap3A_17] : memref<1x1x128x32xi32, #tpu.memory_space<vmem>>, vector<1x1x128x32xi32>
    %swap3A_19 = vector.shape_cast %swap3A_18 : vector<1x1x128x32xi32> to vector<128x32xi32>
    %swap3A_20 = vector.shape_cast %broadcast_in_dim3A_14 : vector<128x32xi32> to vector<1x1x128x32xi32>
    tpu.vector_store %arg4[%swap3A, %swap3A_15, %swap3A_16, %swap3A_17], %swap3A_20 {strides = array<i32>} : memref<1x1x128x32xi32, #tpu.memory_space<vmem>>, vector<1x1x128x32xi32>,
    %broadcast_in_dim3A_21 = arith.constant 0 : i32
    %broadcast_in_dim3A_22 = vector.broadcast %broadcast_in_dim3A_21 : i32 to vector<128x1xi32>
    %swap3A_23 = arith.constant 0 : index
    %swap3A_24 = arith.constant 0 : index
    %swap3A_25 = vector.load %arg6[%swap3A_23, %swap3A_24] : memref<128x1xi32, #tpu.memory_space<vmem>>, vector<128x1xi32>
    tpu.vector_store %arg6[%swap3A_23, %swap3A_24], %broadcast_in_dim3A_22 {strides = array<i32>} : memref<128x1xi32, #tpu.memory_space<vmem>>, vector<128x1xi32>,
    %iota3A = tpu.iota {dimensions = array<i32: 1>} : vector<1x1024xi32>
    %scan3A = arith.constant 0 : i32
    %scan3A_26 = arith.constant 8 : i32
    %scan3A_27 = arith.addi %scan3A, %scan3A_26 : i32
    %scan3A_28 = arith.constant 1 : i32
    scf.for %scan3A_59 = %scan3A to %scan3A_27 step %scan3A_28  : i32 {
      %get3A_60 = arith.constant 0 : index
      %get3A_61 = arith.constant 0 : index
      %get3A_62 = vector.load %arg6[%get3A_60, %get3A_61] : memref<128x1xi32, #tpu.memory_space<vmem>>, vector<128x1xi32>
      %reduce_min3A = vector.shape_cast %get3A_62 : vector<128x1xi32> to vector<1x128x1xi32>
      %reduce_min3A_63 = arith.constant dense<2147483647> : vector<1xi32>
      %reduce_min3A_64 = vector.multi_reduction <minsi>, %reduce_min3A, %reduce_min3A_63 [1, 2] : vector<1x128x1xi32> to vector<1xi32>
      %reduce_min3A_65 = vector.shape_cast %reduce_min3A_64 : vector<1xi32> to vector<1x1x1xi32>
      %reduce_min3A_66 = vector.extract %reduce_min3A_65[0, 0, 0] : i32 from vector<1x1x1xi32>
      %lt3A = arith.constant 32 : i32
      %lt3A_67 = arith.cmpi slt, %reduce_min3A_66, %lt3A : i32
      %convert_element_type3A_68 = arith.extui %lt3A_67 : i1 to i32
      %cond3A = arith.constant 0 : i32
      %cond3A_69 = arith.cmpi ne, %convert_element_type3A_68, %cond3A : i32
      scf.if %cond3A_69 {
        %get3A_70 = arith.constant 0 : index
        %get3A_71 = arith.constant 0 : index
        %get3A_72 = arith.index_cast %scan3A_59 : i32 to index
        %get3A_73 = arith.constant 0 : index
        %get3A_74 = vector.load %arg2[%get3A_70, %get3A_71, %get3A_72, %get3A_73] : memref<1x3x8x1024xf32, #tpu.memory_space<vmem>>, vector<1x1x1x1024xf32>
        %get3A_75 = vector.shape_cast %get3A_74 : vector<1x1x1x1024xf32> to vector<1x1024xf32>
        %get3A_76 = arith.constant 0 : index
        %get3A_77 = arith.constant 1 : index
        %get3A_78 = arith.index_cast %scan3A_59 : i32 to index
        %get3A_79 = arith.constant 0 : index
        %get3A_80 = vector.load %arg2[%get3A_76, %get3A_77, %get3A_78, %get3A_79] : memref<1x3x8x1024xf32, #tpu.memory_space<vmem>>, vector<1x1x1x1024xf32>
        %get3A_81 = vector.shape_cast %get3A_80 : vector<1x1x1x1024xf32> to vector<1x1024xf32>
        %get3A_82 = arith.constant 0 : index
        %get3A_83 = arith.constant 2 : index
        %get3A_84 = arith.index_cast %scan3A_59 : i32 to index
        %get3A_85 = arith.constant 0 : index
        %get3A_86 = vector.load %arg2[%get3A_82, %get3A_83, %get3A_84, %get3A_85] : memref<1x3x8x1024xf32, #tpu.memory_space<vmem>>, vector<1x1x1x1024xf32>
        %get3A_87 = vector.shape_cast %get3A_86 : vector<1x1x1x1024xf32> to vector<1x1024xf32>
        %mul3A_88 = arith.mulf %get3A_75, %get3A_75 : vector<1x1024xf32>
        %mul3A_89 = arith.mulf %get3A_81, %get3A_81 : vector<1x1024xf32>
        %add3A_90 = arith.addf %mul3A_88, %mul3A_89 : vector<1x1024xf32>
        %mul3A_91 = arith.mulf %get3A_87, %get3A_87 : vector<1x1024xf32>
        %add3A_92 = arith.addf %add3A_90, %mul3A_91 : vector<1x1024xf32>
        %convert_element_type3A_93 = arith.truncf %get3A_75 : vector<1x1024xf32> to vector<1x1024xbf16>
        %convert_element_type3A_94 = arith.extf %convert_element_type3A_93 : vector<1x1024xbf16> to vector<1x1024xf32>
        %mul3A_95 = vector.broadcast %convert_element_type3A_9 : vector<128x1xf32> to vector<128x1024xf32>
        %mul3A_96 = vector.broadcast %convert_element_type3A_94 : vector<1x1024xf32> to vector<128x1024xf32>
        %mul3A_97 = arith.mulf %mul3A_95, %mul3A_96 : vector<128x1024xf32>
        %convert_element_type3A_98 = arith.truncf %get3A_81 : vector<1x1024xf32> to vector<1x1024xbf16>
        %convert_element_type3A_99 = arith.extf %convert_element_type3A_98 : vector<1x1024xbf16> to vector<1x1024xf32>
        %mul3A_100 = vector.broadcast %convert_element_type3A_11 : vector<128x1xf32> to vector<128x1024xf32>
        %mul3A_101 = vector.broadcast %convert_element_type3A_99 : vector<1x1024xf32> to vector<128x1024xf32>
        %mul3A_102 = arith.mulf %mul3A_100, %mul3A_101 : vector<128x1024xf32>
        %add3A_103 = arith.addf %mul3A_97, %mul3A_102 : vector<128x1024xf32>
        %convert_element_type3A_104 = arith.truncf %get3A_87 : vector<1x1024xf32> to vector<1x1024xbf16>
        %convert_element_type3A_105 = arith.extf %convert_element_type3A_104 : vector<1x1024xbf16> to vector<1x1024xf32>
        %mul3A_106 = vector.broadcast %convert_element_type3A_13 : vector<128x1xf32> to vector<128x1024xf32>
        %mul3A_107 = vector.broadcast %convert_element_type3A_105 : vector<1x1024xf32> to vector<128x1024xf32>
        %mul3A_108 = arith.mulf %mul3A_106, %mul3A_107 : vector<128x1024xf32>
        %add3A_109 = arith.addf %add3A_103, %mul3A_108 : vector<128x1024xf32>
        %add3A_110 = vector.broadcast %add3A_8 : vector<128x1xf32> to vector<128x1024xf32>
        %add3A_111 = vector.broadcast %add3A_92 : vector<1x1024xf32> to vector<128x1024xf32>
        %add3A_112 = arith.addf %add3A_110, %add3A_111 : vector<128x1024xf32>
        %mul3A_113 = arith.constant 2.000000e+00 : f32
        %mul3A_114 = vector.broadcast %mul3A_113 : f32 to vector<128x1024xf32>
        %mul3A_115 = arith.mulf %mul3A_114, %add3A_109 : vector<128x1024xf32>
        %sub3A = arith.subf %add3A_112, %mul3A_115 : vector<128x1024xf32>
        %lt3A_116 = arith.constant 4.000000e-02 : f32
        %lt3A_117 = vector.broadcast %lt3A_116 : f32 to vector<128x1024xf32>
        %lt3A_118 = arith.cmpf olt, %sub3A, %lt3A_117 : vector<128x1024xf32>
        %convert_element_type3A_119 = arith.extui %lt3A_118 : vector<128x1024xi1> to vector<128x1024xi32>
        %broadcast_in_dim3A_120 = arith.constant 0 : i32
        %broadcast_in_dim3A_121 = vector.broadcast %broadcast_in_dim3A_120 : i32 to vector<128x1xi32>
        %slice3A_122 = vector.extract_strided_slice %convert_element_type3A_119 {offsets = [0, 0], sizes = [128, 1023], strides = [1, 1]} : vector<128x1024xi32> to vector<128x1023xi32>
        %concatenate3A = tpu.concatenate %broadcast_in_dim3A_121, %slice3A_122 in 1 : vector<128x1xi32>, vector<128x1023xi32> -> vector<128x1024xi32>
        %add3A_123 = arith.addi %convert_element_type3A_119, %concatenate3A : vector<128x1024xi32>
        %broadcast_in_dim3A_124 = arith.constant 0 : i32
        %broadcast_in_dim3A_125 = vector.broadcast %broadcast_in_dim3A_124 : i32 to vector<128x2xi32>
        %slice3A_126 = vector.extract_strided_slice %add3A_123 {offsets = [0, 0], sizes = [128, 1022], strides = [1, 1]} : vector<128x1024xi32> to vector<128x1022xi32>
        %concatenate3A_127 = tpu.concatenate %broadcast_in_dim3A_125, %slice3A_126 in 1 : vector<128x2xi32>, vector<128x1022xi32> -> vector<128x1024xi32>
        %add3A_128 = arith.addi %add3A_123, %concatenate3A_127 : vector<128x1024xi32>
        %broadcast_in_dim3A_129 = arith.constant 0 : i32
        %broadcast_in_dim3A_130 = vector.broadcast %broadcast_in_dim3A_129 : i32 to vector<128x4xi32>
        %slice3A_131 = vector.extract_strided_slice %add3A_128 {offsets = [0, 0], sizes = [128, 1020], strides = [1, 1]} : vector<128x1024xi32> to vector<128x1020xi32>
        %concatenate3A_132 = tpu.concatenate %broadcast_in_dim3A_130, %slice3A_131 in 1 : vector<128x4xi32>, vector<128x1020xi32> -> vector<128x1024xi32>
        %add3A_133 = arith.addi %add3A_128, %concatenate3A_132 : vector<128x1024xi32>
        %broadcast_in_dim3A_134 = arith.constant 0 : i32
        %broadcast_in_dim3A_135 = vector.broadcast %broadcast_in_dim3A_134 : i32 to vector<128x8xi32>
        %slice3A_136 = vector.extract_strided_slice %add3A_133 {offsets = [0, 0], sizes = [128, 1016], strides = [1, 1]} : vector<128x1024xi32> to vector<128x1016xi32>
        %concatenate3A_137 = tpu.concatenate %broadcast_in_dim3A_135, %slice3A_136 in 1 : vector<128x8xi32>, vector<128x1016xi32> -> vector<128x1024xi32>
        %add3A_138 = arith.addi %add3A_133, %concatenate3A_137 : vector<128x1024xi32>
        %broadcast_in_dim3A_139 = arith.constant 0 : i32
        %broadcast_in_dim3A_140 = vector.broadcast %broadcast_in_dim3A_139 : i32 to vector<128x16xi32>
        %slice3A_141 = vector.extract_strided_slice %add3A_138 {offsets = [0, 0], sizes = [128, 1008], strides = [1, 1]} : vector<128x1024xi32> to vector<128x1008xi32>
        %concatenate3A_142 = tpu.concatenate %broadcast_in_dim3A_140, %slice3A_141 in 1 : vector<128x16xi32>, vector<128x1008xi32> -> vector<128x1024xi32>
        %add3A_143 = arith.addi %add3A_138, %concatenate3A_142 : vector<128x1024xi32>
        %broadcast_in_dim3A_144 = arith.constant 0 : i32
        %broadcast_in_dim3A_145 = vector.broadcast %broadcast_in_dim3A_144 : i32 to vector<128x32xi32>
        %slice3A_146 = vector.extract_strided_slice %add3A_143 {offsets = [0, 0], sizes = [128, 992], strides = [1, 1]} : vector<128x1024xi32> to vector<128x992xi32>
        %concatenate3A_147 = tpu.concatenate %broadcast_in_dim3A_145, %slice3A_146 in 1 : vector<128x32xi32>, vector<128x992xi32> -> vector<128x1024xi32>
        %add3A_148 = arith.addi %add3A_143, %concatenate3A_147 : vector<128x1024xi32>
        %broadcast_in_dim3A_149 = arith.constant 0 : i32
        %broadcast_in_dim3A_150 = vector.broadcast %broadcast_in_dim3A_149 : i32 to vector<128x64xi32>
        %slice3A_151 = vector.extract_strided_slice %add3A_148 {offsets = [0, 0], sizes = [128, 960], strides = [1, 1]} : vector<128x1024xi32> to vector<128x960xi32>
        %concatenate3A_152 = tpu.concatenate %broadcast_in_dim3A_150, %slice3A_151 in 1 : vector<128x64xi32>, vector<128x960xi32> -> vector<128x1024xi32>
        %add3A_153 = arith.addi %add3A_148, %concatenate3A_152 : vector<128x1024xi32>
        %broadcast_in_dim3A_154 = arith.constant 0 : i32
        %broadcast_in_dim3A_155 = vector.broadcast %broadcast_in_dim3A_154 : i32 to vector<128x128xi32>
        %slice3A_156 = vector.extract_strided_slice %add3A_153 {offsets = [0, 0], sizes = [128, 896], strides = [1, 1]} : vector<128x1024xi32> to vector<128x896xi32>
        %concatenate3A_157 = tpu.concatenate %broadcast_in_dim3A_155, %slice3A_156 in 1 : vector<128x128xi32>, vector<128x896xi32> -> vector<128x1024xi32>
        %add3A_158 = arith.addi %add3A_153, %concatenate3A_157 : vector<128x1024xi32>
        %broadcast_in_dim3A_159 = arith.constant 0 : i32
        %broadcast_in_dim3A_160 = vector.broadcast %broadcast_in_dim3A_159 : i32 to vector<128x256xi32>
        %slice3A_161 = vector.extract_strided_slice %add3A_158 {offsets = [0, 0], sizes = [128, 768], strides = [1, 1]} : vector<128x1024xi32> to vector<128x768xi32>
        %concatenate3A_162 = tpu.concatenate %broadcast_in_dim3A_160, %slice3A_161 in 1 : vector<128x256xi32>, vector<128x768xi32> -> vector<128x1024xi32>
        %add3A_163 = arith.addi %add3A_158, %concatenate3A_162 : vector<128x1024xi32>
        %broadcast_in_dim3A_164 = arith.constant 0 : i32
        %broadcast_in_dim3A_165 = vector.broadcast %broadcast_in_dim3A_164 : i32 to vector<128x512xi32>
        %slice3A_166 = vector.extract_strided_slice %add3A_163 {offsets = [0, 0], sizes = [128, 512], strides = [1, 1]} : vector<128x1024xi32> to vector<128x512xi32>
        %concatenate3A_167 = tpu.concatenate %broadcast_in_dim3A_165, %slice3A_166 in 1 : vector<128x512xi32>, vector<128x512xi32> -> vector<128x1024xi32>
        %add3A_168 = arith.addi %add3A_163, %concatenate3A_167 : vector<128x1024xi32>
        %mul3A_169 = arith.constant 1024 : i32
        %mul3A_170 = arith.muli %scan3A_59, %mul3A_169 : i32
        %add3A_171 = arith.constant 0 : i32
        %add3A_172 = arith.addi %mul3A_170, %add3A_171 : i32
        %add3A_173 = vector.broadcast %add3A_172 : i32 to vector<1x1024xi32>
        %add3A_174 = arith.addi %add3A_173, %iota3A : vector<1x1024xi32>
        %add3A_175 = vector.broadcast %get3A_62 : vector<128x1xi32> to vector<128x1024xi32>
        %add3A_176 = arith.addi %add3A_175, %add3A_168 : vector<128x1024xi32>
        %sub3A_177 = arith.constant 1 : i32
        %sub3A_178 = vector.broadcast %sub3A_177 : i32 to vector<128x1024xi32>
        %sub3A_179 = arith.subi %add3A_176, %sub3A_178 : vector<128x1024xi32>
        %lt3A_180 = arith.constant 32 : i32
        %lt3A_181 = vector.broadcast %lt3A_180 : i32 to vector<128x1024xi32>
        %lt3A_182 = arith.cmpi slt, %sub3A_179, %lt3A_181 : vector<128x1024xi32>
        %and3A = arith.andi %lt3A_118, %lt3A_182 : vector<128x1024xi1>
        %jit3A = arith.constant 1073741824 : i32
        %broadcast_in_dim3A_183 = vector.shape_cast %add3A_174 : vector<1x1024xi32> to vector<1x1024xi32>
        %broadcast_in_dim3A_184 = vector.broadcast %broadcast_in_dim3A_183 : vector<1x1024xi32> to vector<128x1024xi32>
        %broadcast_in_dim3A_185 = vector.broadcast %jit3A : i32 to vector<128x1024xi32>
        %select_n3A_186 = arith.select %and3A, %broadcast_in_dim3A_184, %broadcast_in_dim3A_185 : vector<128x1024xi1>, vector<128x1024xi32>
        %eq3A_187 = arith.constant 0 : i32
        %eq3A_188 = vector.broadcast %eq3A_187 : i32 to vector<128x1024xi32>
        %eq3A_189 = arith.cmpi eq, %sub3A_179, %eq3A_188 : vector<128x1024xi32>
        %jit3A_190 = arith.constant 1073741824 : i32
        %broadcast_in_dim3A_191 = vector.broadcast %jit3A_190 : i32 to vector<128x1024xi32>
        %select_n3A_192 = arith.select %eq3A_189, %select_n3A_186, %broadcast_in_dim3A_191 : vector<128x1024xi1>, vector<128x1024xi32>
        %reduce_min3A_193 = arith.constant dense<2147483647> : vector<128xi32>
        %reduce_min3A_194 = vector.multi_reduction <minsi>, %select_n3A_192, %reduce_min3A_193 [1] : vector<128x1024xi32> to vector<128xi32>
        %broadcast_in_dim3A_195 = vector.shape_cast %reduce_min3A_194 : vector<128xi32> to vector<128x1xi32>
        %eq3A_196 = arith.constant 1 : i32
        %eq3A_197 = vector.broadcast %eq3A_196 : i32 to vector<128x1024xi32>
        %eq3A_198 = arith.cmpi eq, %sub3A_179, %eq3A_197 : vector<128x1024xi32>
        %jit3A_199 = arith.constant 1073741824 : i32
        %broadcast_in_dim3A_200 = vector.broadcast %jit3A_199 : i32 to vector<128x1024xi32>
        %select_n3A_201 = arith.select %eq3A_198, %select_n3A_186, %broadcast_in_dim3A_200 : vector<128x1024xi1>, vector<128x1024xi32>
        %reduce_min3A_202 = arith.constant dense<2147483647> : vector<128xi32>
        %reduce_min3A_203 = vector.multi_reduction <minsi>, %select_n3A_201, %reduce_min3A_202 [1] : vector<128x1024xi32> to vector<128xi32>
        %broadcast_in_dim3A_204 = vector.shape_cast %reduce_min3A_203 : vector<128xi32> to vector<128x1xi32>
        %eq3A_205 = arith.constant 2 : i32
        %eq3A_206 = vector.broadcast %eq3A_205 : i32 to vector<128x1024xi32>
        %eq3A_207 = arith.cmpi eq, %sub3A_179, %eq3A_206 : vector<128x1024xi32>
        %jit3A_208 = arith.constant 1073741824 : i32
        %broadcast_in_dim3A_209 = vector.broadcast %jit3A_208 : i32 to vector<128x1024xi32>
        %select_n3A_210 = arith.select %eq3A_207, %select_n3A_186, %broadcast_in_dim3A_209 : vector<128x1024xi1>, vector<128x1024xi32>
        %reduce_min3A_211 = arith.constant dense<2147483647> : vector<128xi32>
        %reduce_min3A_212 = vector.multi_reduction <minsi>, %select_n3A_210, %reduce_min3A_211 [1] : vector<128x1024xi32> to vector<128xi32>
        %broadcast_in_dim3A_213 = vector.shape_cast %reduce_min3A_212 : vector<128xi32> to vector<128x1xi32>
        %eq3A_214 = arith.constant 3 : i32
        %eq3A_215 = vector.broadcast %eq3A_214 : i32 to vector<128x1024xi32>
        %eq3A_216 = arith.cmpi eq, %sub3A_179, %eq3A_215 : vector<128x1024xi32>
        %jit3A_217 = arith.constant 1073741824 : i32
        %broadcast_in_dim3A_218 = vector.broadcast %jit3A_217 : i32 to vector<128x1024xi32>
        %select_n3A_219 = arith.select %eq3A_216, %select_n3A_186, %broadcast_in_dim3A_218 : vector<128x1024xi1>, vector<128x1024xi32>
        %reduce_min3A_220 = arith.constant dense<2147483647> : vector<128xi32>
        %reduce_min3A_221 = vector.multi_reduction <minsi>, %select_n3A_219, %reduce_min3A_220 [1] : vector<128x1024xi32> to vector<128xi32>
        %broadcast_in_dim3A_222 = vector.shape_cast %reduce_min3A_221 : vector<128xi32> to vector<128x1xi32>
        %eq3A_223 = arith.constant 4 : i32
        %eq3A_224 = vector.broadcast %eq3A_223 : i32 to vector<128x1024xi32>
        %eq3A_225 = arith.cmpi eq, %sub3A_179, %eq3A_224 : vector<128x1024xi32>
        %jit3A_226 = arith.constant 1073741824 : i32
        %broadcast_in_dim3A_227 = vector.broadcast %jit3A_226 : i32 to vector<128x1024xi32>
        %select_n3A_228 = arith.select %eq3A_225, %select_n3A_186, %broadcast_in_dim3A_227 : vector<128x1024xi1>, vector<128x1024xi32>
        %reduce_min3A_229 = arith.constant dense<2147483647> : vector<128xi32>
        %reduce_min3A_230 = vector.multi_reduction <minsi>, %select_n3A_228, %reduce_min3A_229 [1] : vector<128x1024xi32> to vector<128xi32>
        %broadcast_in_dim3A_231 = vector.shape_cast %reduce_min3A_230 : vector<128xi32> to vector<128x1xi32>
        %eq3A_232 = arith.constant 5 : i32
        %eq3A_233 = vector.broadcast %eq3A_232 : i32 to vector<128x1024xi32>
        %eq3A_234 = arith.cmpi eq, %sub3A_179, %eq3A_233 : vector<128x1024xi32>
        %jit3A_235 = arith.constant 1073741824 : i32
        %broadcast_in_dim3A_236 = vector.broadcast %jit3A_235 : i32 to vector<128x1024xi32>
        %select_n3A_237 = arith.select %eq3A_234, %select_n3A_186, %broadcast_in_dim3A_236 : vector<128x1024xi1>, vector<128x1024xi32>
        %reduce_min3A_238 = arith.constant dense<2147483647> : vector<128xi32>
        %reduce_min3A_239 = vector.multi_reduction <minsi>, %select_n3A_237, %reduce_min3A_238 [1] : vector<128x1024xi32> to vector<128xi32>
        %broadcast_in_dim3A_240 = vector.shape_cast %reduce_min3A_239 : vector<128xi32> to vector<128x1xi32>
        %eq3A_241 = arith.constant 6 : i32
        %eq3A_242 = vector.broadcast %eq3A_241 : i32 to vector<128x1024xi32>
        %eq3A_243 = arith.cmpi eq, %sub3A_179, %eq3A_242 : vector<128x1024xi32>
        %jit3A_244 = arith.constant 1073741824 : i32
        %broadcast_in_dim3A_245 = vector.broadcast %jit3A_244 : i32 to vector<128x1024xi32>
        %select_n3A_246 = arith.select %eq3A_243, %select_n3A_186, %broadcast_in_dim3A_245 : vector<128x1024xi1>, vector<128x1024xi32>
        %reduce_min3A_247 = arith.constant dense<2147483647> : vector<128xi32>
        %reduce_min3A_248 = vector.multi_reduction <minsi>, %select_n3A_246, %reduce_min3A_247 [1] : vector<128x1024xi32> to vector<128xi32>
        %broadcast_in_dim3A_249 = vector.shape_cast %reduce_min3A_248 : vector<128xi32> to vector<128x1xi32>
        %eq3A_250 = arith.constant 7 : i32
        %eq3A_251 = vector.broadcast %eq3A_250 : i32 to vector<128x1024xi32>
        %eq3A_252 = arith.cmpi eq, %sub3A_179, %eq3A_251 : vector<128x1024xi32>
        %jit3A_253 = arith.constant 1073741824 : i32
        %broadcast_in_dim3A_254 = vector.broadcast %jit3A_253 : i32 to vector<128x1024xi32>
        %select_n3A_255 = arith.select %eq3A_252, %select_n3A_186, %broadcast_in_dim3A_254 : vector<128x1024xi1>, vector<128x1024xi32>
        %reduce_min3A_256 = arith.constant dense<2147483647> : vector<128xi32>
        %reduce_min3A_257 = vector.multi_reduction <minsi>, %select_n3A_255, %reduce_min3A_256 [1] : vector<128x1024xi32> to vector<128xi32>
        %broadcast_in_dim3A_258 = vector.shape_cast %reduce_min3A_257 : vector<128xi32> to vector<128x1xi32>
        %eq3A_259 = arith.constant 8 : i32
        %eq3A_260 = vector.broadcast %eq3A_259 : i32 to vector<128x1024xi32>
        %eq3A_261 = arith.cmpi eq, %sub3A_179, %eq3A_260 : vector<128x1024xi32>
        %jit3A_262 = arith.constant 1073741824 : i32
        %broadcast_in_dim3A_263 = vector.broadcast %jit3A_262 : i32 to vector<128x1024xi32>
        %select_n3A_264 = arith.select %eq3A_261, %select_n3A_186, %broadcast_in_dim3A_263 : vector<128x1024xi1>, vector<128x1024xi32>
        %reduce_min3A_265 = arith.constant dense<2147483647> : vector<128xi32>
        %reduce_min3A_266 = vector.multi_reduction <minsi>, %select_n3A_264, %reduce_min3A_265 [1] : vector<128x1024xi32> to vector<128xi32>
        %broadcast_in_dim3A_267 = vector.shape_cast %reduce_min3A_266 : vector<128xi32> to vector<128x1xi32>
        %eq3A_268 = arith.constant 9 : i32
        %eq3A_269 = vector.broadcast %eq3A_268 : i32 to vector<128x1024xi32>
        %eq3A_270 = arith.cmpi eq, %sub3A_179, %eq3A_269 : vector<128x1024xi32>
        %jit3A_271 = arith.constant 1073741824 : i32
        %broadcast_in_dim3A_272 = vector.broadcast %jit3A_271 : i32 to vector<128x1024xi32>
        %select_n3A_273 = arith.select %eq3A_270, %select_n3A_186, %broadcast_in_dim3A_272 : vector<128x1024xi1>, vector<128x1024xi32>
        %reduce_min3A_274 = arith.constant dense<2147483647> : vector<128xi32>
        %reduce_min3A_275 = vector.multi_reduction <minsi>, %select_n3A_273, %reduce_min3A_274 [1] : vector<128x1024xi32> to vector<128xi32>
        %broadcast_in_dim3A_276 = vector.shape_cast %reduce_min3A_275 : vector<128xi32> to vector<128x1xi32>
        %eq3A_277 = arith.constant 10 : i32
        %eq3A_278 = vector.broadcast %eq3A_277 : i32 to vector<128x1024xi32>
        %eq3A_279 = arith.cmpi eq, %sub3A_179, %eq3A_278 : vector<128x1024xi32>
        %jit3A_280 = arith.constant 1073741824 : i32
        %broadcast_in_dim3A_281 = vector.broadcast %jit3A_280 : i32 to vector<128x1024xi32>
        %select_n3A_282 = arith.select %eq3A_279, %select_n3A_186, %broadcast_in_dim3A_281 : vector<128x1024xi1>, vector<128x1024xi32>
        %reduce_min3A_283 = arith.constant dense<2147483647> : vector<128xi32>
        %reduce_min3A_284 = vector.multi_reduction <minsi>, %select_n3A_282, %reduce_min3A_283 [1] : vector<128x1024xi32> to vector<128xi32>
        %broadcast_in_dim3A_285 = vector.shape_cast %reduce_min3A_284 : vector<128xi32> to vector<128x1xi32>
        %eq3A_286 = arith.constant 11 : i32
        %eq3A_287 = vector.broadcast %eq3A_286 : i32 to vector<128x1024xi32>
        %eq3A_288 = arith.cmpi eq, %sub3A_179, %eq3A_287 : vector<128x1024xi32>
        %jit3A_289 = arith.constant 1073741824 : i32
        %broadcast_in_dim3A_290 = vector.broadcast %jit3A_289 : i32 to vector<128x1024xi32>
        %select_n3A_291 = arith.select %eq3A_288, %select_n3A_186, %broadcast_in_dim3A_290 : vector<128x1024xi1>, vector<128x1024xi32>
        %reduce_min3A_292 = arith.constant dense<2147483647> : vector<128xi32>
        %reduce_min3A_293 = vector.multi_reduction <minsi>, %select_n3A_291, %reduce_min3A_292 [1] : vector<128x1024xi32> to vector<128xi32>
        %broadcast_in_dim3A_294 = vector.shape_cast %reduce_min3A_293 : vector<128xi32> to vector<128x1xi32>
        %eq3A_295 = arith.constant 12 : i32
        %eq3A_296 = vector.broadcast %eq3A_295 : i32 to vector<128x1024xi32>
        %eq3A_297 = arith.cmpi eq, %sub3A_179, %eq3A_296 : vector<128x1024xi32>
        %jit3A_298 = arith.constant 1073741824 : i32
        %broadcast_in_dim3A_299 = vector.broadcast %jit3A_298 : i32 to vector<128x1024xi32>
        %select_n3A_300 = arith.select %eq3A_297, %select_n3A_186, %broadcast_in_dim3A_299 : vector<128x1024xi1>, vector<128x1024xi32>
        %reduce_min3A_301 = arith.constant dense<2147483647> : vector<128xi32>
        %reduce_min3A_302 = vector.multi_reduction <minsi>, %select_n3A_300, %reduce_min3A_301 [1] : vector<128x1024xi32> to vector<128xi32>
        %broadcast_in_dim3A_303 = vector.shape_cast %reduce_min3A_302 : vector<128xi32> to vector<128x1xi32>
        %eq3A_304 = arith.constant 13 : i32
        %eq3A_305 = vector.broadcast %eq3A_304 : i32 to vector<128x1024xi32>
        %eq3A_306 = arith.cmpi eq, %sub3A_179, %eq3A_305 : vector<128x1024xi32>
        %jit3A_307 = arith.constant 1073741824 : i32
        %broadcast_in_dim3A_308 = vector.broadcast %jit3A_307 : i32 to vector<128x1024xi32>
        %select_n3A_309 = arith.select %eq3A_306, %select_n3A_186, %broadcast_in_dim3A_308 : vector<128x1024xi1>, vector<128x1024xi32>
        %reduce_min3A_310 = arith.constant dense<2147483647> : vector<128xi32>
        %reduce_min3A_311 = vector.multi_reduction <minsi>, %select_n3A_309, %reduce_min3A_310 [1] : vector<128x1024xi32> to vector<128xi32>
        %broadcast_in_dim3A_312 = vector.shape_cast %reduce_min3A_311 : vector<128xi32> to vector<128x1xi32>
        %eq3A_313 = arith.constant 14 : i32
        %eq3A_314 = vector.broadcast %eq3A_313 : i32 to vector<128x1024xi32>
        %eq3A_315 = arith.cmpi eq, %sub3A_179, %eq3A_314 : vector<128x1024xi32>
        %jit3A_316 = arith.constant 1073741824 : i32
        %broadcast_in_dim3A_317 = vector.broadcast %jit3A_316 : i32 to vector<128x1024xi32>
        %select_n3A_318 = arith.select %eq3A_315, %select_n3A_186, %broadcast_in_dim3A_317 : vector<128x1024xi1>, vector<128x1024xi32>
        %reduce_min3A_319 = arith.constant dense<2147483647> : vector<128xi32>
        %reduce_min3A_320 = vector.multi_reduction <minsi>, %select_n3A_318, %reduce_min3A_319 [1] : vector<128x1024xi32> to vector<128xi32>
        %broadcast_in_dim3A_321 = vector.shape_cast %reduce_min3A_320 : vector<128xi32> to vector<128x1xi32>
        %eq3A_322 = arith.constant 15 : i32
        %eq3A_323 = vector.broadcast %eq3A_322 : i32 to vector<128x1024xi32>
        %eq3A_324 = arith.cmpi eq, %sub3A_179, %eq3A_323 : vector<128x1024xi32>
        %jit3A_325 = arith.constant 1073741824 : i32
        %broadcast_in_dim3A_326 = vector.broadcast %jit3A_325 : i32 to vector<128x1024xi32>
        %select_n3A_327 = arith.select %eq3A_324, %select_n3A_186, %broadcast_in_dim3A_326 : vector<128x1024xi1>, vector<128x1024xi32>
        %reduce_min3A_328 = arith.constant dense<2147483647> : vector<128xi32>
        %reduce_min3A_329 = vector.multi_reduction <minsi>, %select_n3A_327, %reduce_min3A_328 [1] : vector<128x1024xi32> to vector<128xi32>
        %broadcast_in_dim3A_330 = vector.shape_cast %reduce_min3A_329 : vector<128xi32> to vector<128x1xi32>
        %eq3A_331 = arith.constant 16 : i32
        %eq3A_332 = vector.broadcast %eq3A_331 : i32 to vector<128x1024xi32>
        %eq3A_333 = arith.cmpi eq, %sub3A_179, %eq3A_332 : vector<128x1024xi32>
        %jit3A_334 = arith.constant 1073741824 : i32
        %broadcast_in_dim3A_335 = vector.broadcast %jit3A_334 : i32 to vector<128x1024xi32>
        %select_n3A_336 = arith.select %eq3A_333, %select_n3A_186, %broadcast_in_dim3A_335 : vector<128x1024xi1>, vector<128x1024xi32>
        %reduce_min3A_337 = arith.constant dense<2147483647> : vector<128xi32>
        %reduce_min3A_338 = vector.multi_reduction <minsi>, %select_n3A_336, %reduce_min3A_337 [1] : vector<128x1024xi32> to vector<128xi32>
        %broadcast_in_dim3A_339 = vector.shape_cast %reduce_min3A_338 : vector<128xi32> to vector<128x1xi32>
        %eq3A_340 = arith.constant 17 : i32
        %eq3A_341 = vector.broadcast %eq3A_340 : i32 to vector<128x1024xi32>
        %eq3A_342 = arith.cmpi eq, %sub3A_179, %eq3A_341 : vector<128x1024xi32>
        %jit3A_343 = arith.constant 1073741824 : i32
        %broadcast_in_dim3A_344 = vector.broadcast %jit3A_343 : i32 to vector<128x1024xi32>
        %select_n3A_345 = arith.select %eq3A_342, %select_n3A_186, %broadcast_in_dim3A_344 : vector<128x1024xi1>, vector<128x1024xi32>
        %reduce_min3A_346 = arith.constant dense<2147483647> : vector<128xi32>
        %reduce_min3A_347 = vector.multi_reduction <minsi>, %select_n3A_345, %reduce_min3A_346 [1] : vector<128x1024xi32> to vector<128xi32>
        %broadcast_in_dim3A_348 = vector.shape_cast %reduce_min3A_347 : vector<128xi32> to vector<128x1xi32>
        %eq3A_349 = arith.constant 18 : i32
        %eq3A_350 = vector.broadcast %eq3A_349 : i32 to vector<128x1024xi32>
        %eq3A_351 = arith.cmpi eq, %sub3A_179, %eq3A_350 : vector<128x1024xi32>
        %jit3A_352 = arith.constant 1073741824 : i32
        %broadcast_in_dim3A_353 = vector.broadcast %jit3A_352 : i32 to vector<128x1024xi32>
        %select_n3A_354 = arith.select %eq3A_351, %select_n3A_186, %broadcast_in_dim3A_353 : vector<128x1024xi1>, vector<128x1024xi32>
        %reduce_min3A_355 = arith.constant dense<2147483647> : vector<128xi32>
        %reduce_min3A_356 = vector.multi_reduction <minsi>, %select_n3A_354, %reduce_min3A_355 [1] : vector<128x1024xi32> to vector<128xi32>
        %broadcast_in_dim3A_357 = vector.shape_cast %reduce_min3A_356 : vector<128xi32> to vector<128x1xi32>
        %eq3A_358 = arith.constant 19 : i32
        %eq3A_359 = vector.broadcast %eq3A_358 : i32 to vector<128x1024xi32>
        %eq3A_360 = arith.cmpi eq, %sub3A_179, %eq3A_359 : vector<128x1024xi32>
        %jit3A_361 = arith.constant 1073741824 : i32
        %broadcast_in_dim3A_362 = vector.broadcast %jit3A_361 : i32 to vector<128x1024xi32>
        %select_n3A_363 = arith.select %eq3A_360, %select_n3A_186, %broadcast_in_dim3A_362 : vector<128x1024xi1>, vector<128x1024xi32>
        %reduce_min3A_364 = arith.constant dense<2147483647> : vector<128xi32>
        %reduce_min3A_365 = vector.multi_reduction <minsi>, %select_n3A_363, %reduce_min3A_364 [1] : vector<128x1024xi32> to vector<128xi32>
        %broadcast_in_dim3A_366 = vector.shape_cast %reduce_min3A_365 : vector<128xi32> to vector<128x1xi32>
        %eq3A_367 = arith.constant 20 : i32
        %eq3A_368 = vector.broadcast %eq3A_367 : i32 to vector<128x1024xi32>
        %eq3A_369 = arith.cmpi eq, %sub3A_179, %eq3A_368 : vector<128x1024xi32>
        %jit3A_370 = arith.constant 1073741824 : i32
        %broadcast_in_dim3A_371 = vector.broadcast %jit3A_370 : i32 to vector<128x1024xi32>
        %select_n3A_372 = arith.select %eq3A_369, %select_n3A_186, %broadcast_in_dim3A_371 : vector<128x1024xi1>, vector<128x1024xi32>
        %reduce_min3A_373 = arith.constant dense<2147483647> : vector<128xi32>
        %reduce_min3A_374 = vector.multi_reduction <minsi>, %select_n3A_372, %reduce_min3A_373 [1] : vector<128x1024xi32> to vector<128xi32>
        %broadcast_in_dim3A_375 = vector.shape_cast %reduce_min3A_374 : vector<128xi32> to vector<128x1xi32>
        %eq3A_376 = arith.constant 21 : i32
        %eq3A_377 = vector.broadcast %eq3A_376 : i32 to vector<128x1024xi32>
        %eq3A_378 = arith.cmpi eq, %sub3A_179, %eq3A_377 : vector<128x1024xi32>
        %jit3A_379 = arith.constant 1073741824 : i32
        %broadcast_in_dim3A_380 = vector.broadcast %jit3A_379 : i32 to vector<128x1024xi32>
        %select_n3A_381 = arith.select %eq3A_378, %select_n3A_186, %broadcast_in_dim3A_380 : vector<128x1024xi1>, vector<128x1024xi32>
        %reduce_min3A_382 = arith.constant dense<2147483647> : vector<128xi32>
        %reduce_min3A_383 = vector.multi_reduction <minsi>, %select_n3A_381, %reduce_min3A_382 [1] : vector<128x1024xi32> to vector<128xi32>
        %broadcast_in_dim3A_384 = vector.shape_cast %reduce_min3A_383 : vector<128xi32> to vector<128x1xi32>
        %eq3A_385 = arith.constant 22 : i32
        %eq3A_386 = vector.broadcast %eq3A_385 : i32 to vector<128x1024xi32>
        %eq3A_387 = arith.cmpi eq, %sub3A_179, %eq3A_386 : vector<128x1024xi32>
        %jit3A_388 = arith.constant 1073741824 : i32
        %broadcast_in_dim3A_389 = vector.broadcast %jit3A_388 : i32 to vector<128x1024xi32>
        %select_n3A_390 = arith.select %eq3A_387, %select_n3A_186, %broadcast_in_dim3A_389 : vector<128x1024xi1>, vector<128x1024xi32>
        %reduce_min3A_391 = arith.constant dense<2147483647> : vector<128xi32>
        %reduce_min3A_392 = vector.multi_reduction <minsi>, %select_n3A_390, %reduce_min3A_391 [1] : vector<128x1024xi32> to vector<128xi32>
        %broadcast_in_dim3A_393 = vector.shape_cast %reduce_min3A_392 : vector<128xi32> to vector<128x1xi32>
        %eq3A_394 = arith.constant 23 : i32
        %eq3A_395 = vector.broadcast %eq3A_394 : i32 to vector<128x1024xi32>
        %eq3A_396 = arith.cmpi eq, %sub3A_179, %eq3A_395 : vector<128x1024xi32>
        %jit3A_397 = arith.constant 1073741824 : i32
        %broadcast_in_dim3A_398 = vector.broadcast %jit3A_397 : i32 to vector<128x1024xi32>
        %select_n3A_399 = arith.select %eq3A_396, %select_n3A_186, %broadcast_in_dim3A_398 : vector<128x1024xi1>, vector<128x1024xi32>
        %reduce_min3A_400 = arith.constant dense<2147483647> : vector<128xi32>
        %reduce_min3A_401 = vector.multi_reduction <minsi>, %select_n3A_399, %reduce_min3A_400 [1] : vector<128x1024xi32> to vector<128xi32>
        %broadcast_in_dim3A_402 = vector.shape_cast %reduce_min3A_401 : vector<128xi32> to vector<128x1xi32>
        %eq3A_403 = arith.constant 24 : i32
        %eq3A_404 = vector.broadcast %eq3A_403 : i32 to vector<128x1024xi32>
        %eq3A_405 = arith.cmpi eq, %sub3A_179, %eq3A_404 : vector<128x1024xi32>
        %jit3A_406 = arith.constant 1073741824 : i32
        %broadcast_in_dim3A_407 = vector.broadcast %jit3A_406 : i32 to vector<128x1024xi32>
        %select_n3A_408 = arith.select %eq3A_405, %select_n3A_186, %broadcast_in_dim3A_407 : vector<128x1024xi1>, vector<128x1024xi32>
        %reduce_min3A_409 = arith.constant dense<2147483647> : vector<128xi32>
        %reduce_min3A_410 = vector.multi_reduction <minsi>, %select_n3A_408, %reduce_min3A_409 [1] : vector<128x1024xi32> to vector<128xi32>
        %broadcast_in_dim3A_411 = vector.shape_cast %reduce_min3A_410 : vector<128xi32> to vector<128x1xi32>
        %eq3A_412 = arith.constant 25 : i32
        %eq3A_413 = vector.broadcast %eq3A_412 : i32 to vector<128x1024xi32>
        %eq3A_414 = arith.cmpi eq, %sub3A_179, %eq3A_413 : vector<128x1024xi32>
        %jit3A_415 = arith.constant 1073741824 : i32
        %broadcast_in_dim3A_416 = vector.broadcast %jit3A_415 : i32 to vector<128x1024xi32>
        %select_n3A_417 = arith.select %eq3A_414, %select_n3A_186, %broadcast_in_dim3A_416 : vector<128x1024xi1>, vector<128x1024xi32>
        %reduce_min3A_418 = arith.constant dense<2147483647> : vector<128xi32>
        %reduce_min3A_419 = vector.multi_reduction <minsi>, %select_n3A_417, %reduce_min3A_418 [1] : vector<128x1024xi32> to vector<128xi32>
        %broadcast_in_dim3A_420 = vector.shape_cast %reduce_min3A_419 : vector<128xi32> to vector<128x1xi32>
        %eq3A_421 = arith.constant 26 : i32
        %eq3A_422 = vector.broadcast %eq3A_421 : i32 to vector<128x1024xi32>
        %eq3A_423 = arith.cmpi eq, %sub3A_179, %eq3A_422 : vector<128x1024xi32>
        %jit3A_424 = arith.constant 1073741824 : i32
        %broadcast_in_dim3A_425 = vector.broadcast %jit3A_424 : i32 to vector<128x1024xi32>
        %select_n3A_426 = arith.select %eq3A_423, %select_n3A_186, %broadcast_in_dim3A_425 : vector<128x1024xi1>, vector<128x1024xi32>
        %reduce_min3A_427 = arith.constant dense<2147483647> : vector<128xi32>
        %reduce_min3A_428 = vector.multi_reduction <minsi>, %select_n3A_426, %reduce_min3A_427 [1] : vector<128x1024xi32> to vector<128xi32>
        %broadcast_in_dim3A_429 = vector.shape_cast %reduce_min3A_428 : vector<128xi32> to vector<128x1xi32>
        %eq3A_430 = arith.constant 27 : i32
        %eq3A_431 = vector.broadcast %eq3A_430 : i32 to vector<128x1024xi32>
        %eq3A_432 = arith.cmpi eq, %sub3A_179, %eq3A_431 : vector<128x1024xi32>
        %jit3A_433 = arith.constant 1073741824 : i32
        %broadcast_in_dim3A_434 = vector.broadcast %jit3A_433 : i32 to vector<128x1024xi32>
        %select_n3A_435 = arith.select %eq3A_432, %select_n3A_186, %broadcast_in_dim3A_434 : vector<128x1024xi1>, vector<128x1024xi32>
        %reduce_min3A_436 = arith.constant dense<2147483647> : vector<128xi32>
        %reduce_min3A_437 = vector.multi_reduction <minsi>, %select_n3A_435, %reduce_min3A_436 [1] : vector<128x1024xi32> to vector<128xi32>
        %broadcast_in_dim3A_438 = vector.shape_cast %reduce_min3A_437 : vector<128xi32> to vector<128x1xi32>
        %eq3A_439 = arith.constant 28 : i32
        %eq3A_440 = vector.broadcast %eq3A_439 : i32 to vector<128x1024xi32>
        %eq3A_441 = arith.cmpi eq, %sub3A_179, %eq3A_440 : vector<128x1024xi32>
        %jit3A_442 = arith.constant 1073741824 : i32
        %broadcast_in_dim3A_443 = vector.broadcast %jit3A_442 : i32 to vector<128x1024xi32>
        %select_n3A_444 = arith.select %eq3A_441, %select_n3A_186, %broadcast_in_dim3A_443 : vector<128x1024xi1>, vector<128x1024xi32>
        %reduce_min3A_445 = arith.constant dense<2147483647> : vector<128xi32>
        %reduce_min3A_446 = vector.multi_reduction <minsi>, %select_n3A_444, %reduce_min3A_445 [1] : vector<128x1024xi32> to vector<128xi32>
        %broadcast_in_dim3A_447 = vector.shape_cast %reduce_min3A_446 : vector<128xi32> to vector<128x1xi32>
        %eq3A_448 = arith.constant 29 : i32
        %eq3A_449 = vector.broadcast %eq3A_448 : i32 to vector<128x1024xi32>
        %eq3A_450 = arith.cmpi eq, %sub3A_179, %eq3A_449 : vector<128x1024xi32>
        %jit3A_451 = arith.constant 1073741824 : i32
        %broadcast_in_dim3A_452 = vector.broadcast %jit3A_451 : i32 to vector<128x1024xi32>
        %select_n3A_453 = arith.select %eq3A_450, %select_n3A_186, %broadcast_in_dim3A_452 : vector<128x1024xi1>, vector<128x1024xi32>
        %reduce_min3A_454 = arith.constant dense<2147483647> : vector<128xi32>
        %reduce_min3A_455 = vector.multi_reduction <minsi>, %select_n3A_453, %reduce_min3A_454 [1] : vector<128x1024xi32> to vector<128xi32>
        %broadcast_in_dim3A_456 = vector.shape_cast %reduce_min3A_455 : vector<128xi32> to vector<128x1xi32>
        %eq3A_457 = arith.constant 30 : i32
        %eq3A_458 = vector.broadcast %eq3A_457 : i32 to vector<128x1024xi32>
        %eq3A_459 = arith.cmpi eq, %sub3A_179, %eq3A_458 : vector<128x1024xi32>
        %jit3A_460 = arith.constant 1073741824 : i32
        %broadcast_in_dim3A_461 = vector.broadcast %jit3A_460 : i32 to vector<128x1024xi32>
        %select_n3A_462 = arith.select %eq3A_459, %select_n3A_186, %broadcast_in_dim3A_461 : vector<128x1024xi1>, vector<128x1024xi32>
        %reduce_min3A_463 = arith.constant dense<2147483647> : vector<128xi32>
        %reduce_min3A_464 = vector.multi_reduction <minsi>, %select_n3A_462, %reduce_min3A_463 [1] : vector<128x1024xi32> to vector<128xi32>
        %broadcast_in_dim3A_465 = vector.shape_cast %reduce_min3A_464 : vector<128xi32> to vector<128x1xi32>
        %eq3A_466 = arith.constant 31 : i32
        %eq3A_467 = vector.broadcast %eq3A_466 : i32 to vector<128x1024xi32>
        %eq3A_468 = arith.cmpi eq, %sub3A_179, %eq3A_467 : vector<128x1024xi32>
        %jit3A_469 = arith.constant 1073741824 : i32
        %broadcast_in_dim3A_470 = vector.broadcast %jit3A_469 : i32 to vector<128x1024xi32>
        %select_n3A_471 = arith.select %eq3A_468, %select_n3A_186, %broadcast_in_dim3A_470 : vector<128x1024xi1>, vector<128x1024xi32>
        %reduce_min3A_472 = arith.constant dense<2147483647> : vector<128xi32>
        %reduce_min3A_473 = vector.multi_reduction <minsi>, %select_n3A_471, %reduce_min3A_472 [1] : vector<128x1024xi32> to vector<128xi32>
        %broadcast_in_dim3A_474 = vector.shape_cast %reduce_min3A_473 : vector<128xi32> to vector<128x1xi32>
        %concatenate3A_475 = tpu.concatenate %broadcast_in_dim3A_195, %broadcast_in_dim3A_204, %broadcast_in_dim3A_213, %broadcast_in_dim3A_222, %broadcast_in_dim3A_231, %broadcast_in_dim3A_240, %broadcast_in_dim3A_249, %broadcast_in_dim3A_258, %broadcast_in_dim3A_267, %broadcast_in_dim3A_276, %broadcast_in_dim3A_285, %broadcast_in_dim3A_294, %broadcast_in_dim3A_303, %broadcast_in_dim3A_312, %broadcast_in_dim3A_321, %broadcast_in_dim3A_330, %broadcast_in_dim3A_339, %broadcast_in_dim3A_348, %broadcast_in_dim3A_357, %broadcast_in_dim3A_366, %broadcast_in_dim3A_375, %broadcast_in_dim3A_384, %broadcast_in_dim3A_393, %broadcast_in_dim3A_402, %broadcast_in_dim3A_411, %broadcast_in_dim3A_420, %broadcast_in_dim3A_429, %broadcast_in_dim3A_438, %broadcast_in_dim3A_447, %broadcast_in_dim3A_456, %broadcast_in_dim3A_465, %broadcast_in_dim3A_474 in 1 : vector<128x1xi32>, vector<128x1xi32>, vector<128x1xi32>, vector<128x1xi32>, vector<128x1xi32>, vector<128x1xi32>, vector<128x1xi32>, vector<128x1xi32>, vector<128x1xi32>, vector<128x1xi32>, vector<128x1xi32>, vector<128x1xi32>, vector<128x1xi32>, vector<128x1xi32>, vector<128x1xi32>, vector<128x1xi32>, vector<128x1xi32>, vector<128x1xi32>, vector<128x1xi32>, vector<128x1xi32>, vector<128x1xi32>, vector<128x1xi32>, vector<128x1xi32>, vector<128x1xi32>, vector<128x1xi32>, vector<128x1xi32>, vector<128x1xi32>, vector<128x1xi32>, vector<128x1xi32>, vector<128x1xi32>, vector<128x1xi32>, vector<128x1xi32> -> vector<128x32xi32>
        %get3A_476 = arith.constant 0 : index
        %get3A_477 = arith.constant 0 : index
        %get3A_478 = arith.constant 0 : index
        %get3A_479 = arith.constant 0 : index
        %get3A_480 = vector.load %arg4[%get3A_476, %get3A_477, %get3A_478, %get3A_479] : memref<1x1x128x32xi32, #tpu.memory_space<vmem>>, vector<1x1x128x32xi32>
        %get3A_481 = vector.shape_cast %get3A_480 : vector<1x1x128x32xi32> to vector<128x32xi32>
        %min3A = arith.minsi %get3A_481, %concatenate3A_475 : vector<128x32xi32>
        %swap3A_482 = arith.constant 0 : index
        %swap3A_483 = arith.constant 0 : index
        %swap3A_484 = arith.constant 0 : index
        %swap3A_485 = arith.constant 0 : index
        %swap3A_486 = vector.load %arg4[%swap3A_482, %swap3A_483, %swap3A_484, %swap3A_485] : memref<1x1x128x32xi32, #tpu.memory_space<vmem>>, vector<1x1x128x32xi32>
        %swap3A_487 = vector.shape_cast %swap3A_486 : vector<1x1x128x32xi32> to vector<128x32xi32>
        %swap3A_488 = vector.shape_cast %min3A : vector<128x32xi32> to vector<1x1x128x32xi32>
        tpu.vector_store %arg4[%swap3A_482, %swap3A_483, %swap3A_484, %swap3A_485], %swap3A_488 {strides = array<i32>} : memref<1x1x128x32xi32, #tpu.memory_space<vmem>>, vector<1x1x128x32xi32>,
        %slice3A_489 = vector.extract_strided_slice %add3A_168 {offsets = [0, 1023], sizes = [128, 1], strides = [1, 1]} : vector<128x1024xi32> to vector<128x1xi32>
        %add3A_490 = arith.addi %get3A_62, %slice3A_489 : vector<128x1xi32>
        %swap3A_491 = arith.constant 0 : index
        %swap3A_492 = arith.constant 0 : index
        %swap3A_493 = vector.load %arg6[%swap3A_491, %swap3A_492] : memref<128x1xi32, #tpu.memory_space<vmem>>, vector<128x1xi32>
        tpu.vector_store %arg6[%swap3A_491, %swap3A_492], %add3A_490 {strides = array<i32>} : memref<128x1xi32, #tpu.memory_space<vmem>>, vector<128x1xi32>,
      } else {
      }
    }
    %scan3A_29 = arith.constant 8 : i32
    %get3A_30 = arith.constant 0 : index
    %get3A_31 = arith.constant 0 : index
    %get3A_32 = arith.constant 0 : index
    %get3A_33 = arith.constant 0 : index
    %get3A_34 = vector.load %arg4[%get3A_30, %get3A_31, %get3A_32, %get3A_33] : memref<1x1x128x32xi32, #tpu.memory_space<vmem>>, vector<1x1x128x32xi32>
    %get3A_35 = vector.shape_cast %get3A_34 : vector<1x1x128x32xi32> to vector<128x32xi32>
    %slice3A_36 = vector.extract_strided_slice %get3A_35 {offsets = [0, 0], sizes = [128, 1], strides = [1, 1]} : vector<128x32xi32> to vector<128x1xi32>
    %eq3A = arith.constant 8192 : i32
    %eq3A_37 = vector.broadcast %eq3A : i32 to vector<128x32xi32>
    %eq3A_38 = arith.cmpi eq, %get3A_35, %eq3A_37 : vector<128x32xi32>
    %broadcast_in_dim3A_39 = vector.shape_cast %slice3A_36 : vector<128x1xi32> to vector<128x1xi32>
    %broadcast_in_dim3A_40 = vector.broadcast %broadcast_in_dim3A_39 : vector<128x1xi32> to vector<128x32xi32>
    %select_n3A = arith.select %eq3A_38, %broadcast_in_dim3A_40, %get3A_35 : vector<128x32xi1>, vector<128x32xi32>
    %swap3A_41 = arith.constant 0 : index
    %swap3A_42 = arith.constant 0 : index
    %swap3A_43 = arith.constant 0 : index
    %swap3A_44 = arith.constant 0 : index
    %swap3A_45 = vector.load %arg4[%swap3A_41, %swap3A_42, %swap3A_43, %swap3A_44] : memref<1x1x128x32xi32, #tpu.memory_space<vmem>>, vector<1x1x128x32xi32>
    %swap3A_46 = vector.shape_cast %swap3A_45 : vector<1x1x128x32xi32> to vector<128x32xi32>
    %swap3A_47 = vector.shape_cast %select_n3A : vector<128x32xi32> to vector<1x1x128x32xi32>
    tpu.vector_store %arg4[%swap3A_41, %swap3A_42, %swap3A_43, %swap3A_44], %swap3A_47 {strides = array<i32>} : memref<1x1x128x32xi32, #tpu.memory_space<vmem>>, vector<1x1x128x32xi32>,
    %mul3A_48 = arith.constant 8192 : i32
    %mul3A_49 = arith.muli %arg0, %mul3A_48 : i32
    %add3A_50 = vector.broadcast %mul3A_49 : i32 to vector<128x32xi32>
    %add3A_51 = arith.addi %select_n3A, %add3A_50 : vector<128x32xi32>
    %swap3A_52 = arith.constant 0 : index
    %swap3A_53 = arith.constant 0 : index
    %swap3A_54 = arith.constant 0 : index
    %swap3A_55 = arith.constant 0 : index
    %swap3A_56 = vector.load %arg5[%swap3A_52, %swap3A_53, %swap3A_54, %swap3A_55] : memref<1x1x128x32xi32, #tpu.memory_space<vmem>>, vector<1x1x128x32xi32>
    %swap3A_57 = vector.shape_cast %swap3A_56 : vector<1x1x128x32xi32> to vector<128x32xi32>
    %swap3A_58 = vector.shape_cast %add3A_51 : vector<128x32xi32> to vector<1x1x128x32xi32>
    tpu.vector_store %arg5[%swap3A_52, %swap3A_53, %swap3A_54, %swap3A_55], %swap3A_58 {strides = array<i32>} : memref<1x1x128x32xi32, #tpu.memory_space<vmem>>, vector<1x1x128x32xi32>,
    return
  }
  func.func @transform_0(%arg0: i32, %arg1: i32) -> (i32, i32, i32, i32) {
    %c0_i32 = arith.constant 0 : i32
    %c0_i32_0 = arith.constant 0 : i32
    %c0_i32_1 = arith.constant 0 : i32
    %c0_i32_2 = arith.constant 0 : i32
    return %arg0, %c0_i32, %c0_i32_0, %c0_i32_1 : i32, i32, i32, i32
  }
  func.func @transform_1(%arg0: i32, %arg1: i32) -> (i32, i32, i32) {
    %c0_i32 = arith.constant 0 : i32
    %c0_i32_0 = arith.constant 0 : i32
    return %arg0, %arg1, %c0_i32 : i32, i32, i32
  }
  func.func @transform_2(%arg0: i32, %arg1: i32) -> (i32, i32, i32, i32) {
    %c0_i32 = arith.constant 0 : i32
    %c0_i32_0 = arith.constant 0 : i32
    %c0_i32_1 = arith.constant 0 : i32
    return %arg0, %arg1, %c0_i32, %c0_i32_0 : i32, i32, i32, i32
  }
  func.func @transform_3(%arg0: i32, %arg1: i32) -> (i32, i32, i32, i32) {
    %c0_i32 = arith.constant 0 : i32
    %c0_i32_0 = arith.constant 0 : i32
    %c0_i32_1 = arith.constant 0 : i32
    return %arg0, %arg1, %c0_i32, %c0_i32_0 : i32, i32, i32, i32
  }
}

module attributes {stable_mosaic.version = 14 : i64} {
  func.func @_feat_kernel(%arg0: i32, %arg1: memref<4096x32xf32, #tpu.memory_space<vmem>>, %arg2: memref<32x32xf32, #tpu.memory_space<vmem>>, %arg3: memref<4096x32xf32, #tpu.memory_space<vmem>>) attributes {dimension_semantics = [#tpu.dimension_semantics<parallel>], iteration_bounds = array<i64: 8>, scalar_prefetch = 0 : i64, scratch_operands = 0 : i64, tpu.core_type = #tpu.core_type<tc>, window_params = [{transform_indices = @transform_0, window_bounds = array<i64: 4096, 32>}, {pipeline_mode = #tpu.pipeline_mode<synchronous>, transform_indices = @transform_1, window_bounds = array<i64: 32, 32>}, {transform_indices = @transform_2, window_bounds = array<i64: 4096, 32>}]} {
    %get3A = arith.constant 0 : index
    %get3A_0 = arith.constant 0 : index
    %get3A_1 = vector.load %arg1[%get3A, %get3A_0] : memref<4096x32xf32, #tpu.memory_space<vmem>>, vector<4096x32xf32>
    %get3A_2 = arith.constant 0 : index
    %get3A_3 = arith.constant 0 : index
    %get3A_4 = vector.load %arg2[%get3A_2, %get3A_3] : memref<32x32xf32, #tpu.memory_space<vmem>>, vector<32x32xf32>
    %dot_general3A = arith.constant dense<0.000000e+00> : vector<4096x32xf32>
    %dot_general3A_5 = tpu.matmul %get3A_1, %get3A_4, %dot_general3A {dimension_numbers = #tpu.dot_dimension_numbers<[1], [0], [0], [1], [0, 0, 1, 1], [], []>, precision = #tpu.contract_precision<fp32>, transpose_lhs_hint = false} : vector<4096x32xf32>, vector<32x32xf32>, vector<4096x32xf32> -> vector<4096x32xf32>
    %swap3A = arith.constant 0 : index
    %swap3A_6 = arith.constant 0 : index
    %swap3A_7 = vector.load %arg3[%swap3A, %swap3A_6] : memref<4096x32xf32, #tpu.memory_space<vmem>>, vector<4096x32xf32>
    tpu.vector_store %arg3[%swap3A, %swap3A_6], %dot_general3A_5 {strides = array<i32>} : memref<4096x32xf32, #tpu.memory_space<vmem>>, vector<4096x32xf32>,
    return
  }
  func.func @transform_0(%arg0: i32) -> (i32, i32) {
    %c0_i32 = arith.constant 0 : i32
    %c0_i32_0 = arith.constant 0 : i32
    return %arg0, %c0_i32 : i32, i32
  }
  func.func @transform_1(%arg0: i32) -> (i32, i32) {
    %c0_i32 = arith.constant 0 : i32
    %c0_i32_0 = arith.constant 0 : i32
    %c0_i32_1 = arith.constant 0 : i32
    return %c0_i32, %c0_i32_0 : i32, i32
  }
  func.func @transform_2(%arg0: i32) -> (i32, i32) {
    %c0_i32 = arith.constant 0 : i32
    %c0_i32_0 = arith.constant 0 : i32
    return %arg0, %c0_i32 : i32, i32
  }
}

module attributes {stable_mosaic.version = 14 : i64} {
  func.func @_mlp_kernel(%arg0: i32, %arg1: memref<4096x32xf32, #tpu.memory_space<vmem>>, %arg2: memref<128x8xf32, #tpu.memory_space<vmem>>, %arg3: memref<8x32xf32, #tpu.memory_space<vmem>>, %arg4: memref<1x32xf32, #tpu.memory_space<vmem>>, %arg5: memref<32x32xf32, #tpu.memory_space<vmem>>, %arg6: memref<1x32xf32, #tpu.memory_space<vmem>>, %arg7: memref<32x64xf32, #tpu.memory_space<vmem>>, %arg8: memref<1x64xf32, #tpu.memory_space<vmem>>, %arg9: memref<128x64xf32, #tpu.memory_space<vmem>>) attributes {dimension_semantics = [#tpu.dimension_semantics<parallel>], iteration_bounds = array<i64: 32>, scalar_prefetch = 0 : i64, scratch_operands = 0 : i64, tpu.core_type = #tpu.core_type<tc>, window_params = [{transform_indices = @transform_0, window_bounds = array<i64: 4096, 32>}, {transform_indices = @transform_1, window_bounds = array<i64: 128, 8>}, {pipeline_mode = #tpu.pipeline_mode<synchronous>, transform_indices = @transform_2, window_bounds = array<i64: 8, 32>}, {pipeline_mode = #tpu.pipeline_mode<synchronous>, transform_indices = @transform_3, window_bounds = array<i64: 1, 32>}, {pipeline_mode = #tpu.pipeline_mode<synchronous>, transform_indices = @transform_4, window_bounds = array<i64: 32, 32>}, {pipeline_mode = #tpu.pipeline_mode<synchronous>, transform_indices = @transform_5, window_bounds = array<i64: 1, 32>}, {pipeline_mode = #tpu.pipeline_mode<synchronous>, transform_indices = @transform_6, window_bounds = array<i64: 32, 64>}, {pipeline_mode = #tpu.pipeline_mode<synchronous>, transform_indices = @transform_7, window_bounds = array<i64: 1, 64>}, {transform_indices = @transform_8, window_bounds = array<i64: 128, 64>}]} {
    %get3A = arith.constant 0 : index
    %get3A_0 = arith.constant 0 : index
    %get3A_1 = vector.load %arg4[%get3A, %get3A_0] : memref<1x32xf32, #tpu.memory_space<vmem>>, vector<1x32xf32>
    %get3A_2 = arith.constant 0 : index
    %get3A_3 = arith.constant 0 : index
    %get3A_4 = vector.load %arg2[%get3A_2, %get3A_3] : memref<128x8xf32, #tpu.memory_space<vmem>>, vector<128x8xf32>
    %get3A_5 = arith.constant 0 : index
    %get3A_6 = arith.constant 0 : index
    %get3A_7 = vector.load %arg3[%get3A_5, %get3A_6] : memref<8x32xf32, #tpu.memory_space<vmem>>, vector<8x32xf32>
    %dot_general3A = arith.constant dense<0.000000e+00> : vector<128x32xf32>
    %dot_general3A_8 = tpu.matmul %get3A_4, %get3A_7, %dot_general3A {dimension_numbers = #tpu.dot_dimension_numbers<[1], [0], [0], [1], [0, 0, 1, 1], [], []>, precision = #tpu.contract_precision<fp32>, transpose_lhs_hint = false} : vector<128x8xf32>, vector<8x32xf32>, vector<128x32xf32> -> vector<128x32xf32>
    %sub3A = vector.broadcast %get3A_1 : vector<1x32xf32> to vector<128x32xf32>
    %sub3A_9 = arith.subf %sub3A, %dot_general3A_8 : vector<128x32xf32>
    %broadcast_in_dim3A = vector.shape_cast %sub3A_9 : vector<128x32xf32> to vector<128x1x32xf32>
    %broadcast_in_dim3A_10 = vector.shape_cast %broadcast_in_dim3A : vector<128x1x32xf32> to vector<128x1x32xf32>
    %broadcast_in_dim3A_11 = vector.broadcast %broadcast_in_dim3A_10 : vector<128x1x32xf32> to vector<128x32x32xf32>
    %reshape3A = vector.shape_cast %broadcast_in_dim3A_11 : vector<128x32x32xf32> to vector<4096x32xf32>
    %get3A_12 = arith.constant 0 : index
    %get3A_13 = arith.constant 0 : index
    %get3A_14 = vector.load %arg1[%get3A_12, %get3A_13] : memref<4096x32xf32, #tpu.memory_space<vmem>>, vector<4096x32xf32>
    %add3A = arith.addf %get3A_14, %reshape3A : vector<4096x32xf32>
    %max3A = arith.constant 0.000000e+00 : f32
    %max3A_15 = vector.broadcast %max3A : f32 to vector<4096x32xf32>
    %max3A_16 = arith.maximumf %add3A, %max3A_15 : vector<4096x32xf32>
    %get3A_17 = arith.constant 0 : index
    %get3A_18 = arith.constant 0 : index
    %get3A_19 = vector.load %arg5[%get3A_17, %get3A_18] : memref<32x32xf32, #tpu.memory_space<vmem>>, vector<32x32xf32>
    %dot_general3A_20 = arith.constant dense<0.000000e+00> : vector<4096x32xf32>
    %dot_general3A_21 = tpu.matmul %max3A_16, %get3A_19, %dot_general3A_20 {dimension_numbers = #tpu.dot_dimension_numbers<[1], [0], [0], [1], [0, 0, 1, 1], [], []>, precision = #tpu.contract_precision<fp32>, transpose_lhs_hint = false} : vector<4096x32xf32>, vector<32x32xf32>, vector<4096x32xf32> -> vector<4096x32xf32>
    %get3A_22 = arith.constant 0 : index
    %get3A_23 = arith.constant 0 : index
    %get3A_24 = vector.load %arg6[%get3A_22, %get3A_23] : memref<1x32xf32, #tpu.memory_space<vmem>>, vector<1x32xf32>
    %add3A_25 = vector.broadcast %get3A_24 : vector<1x32xf32> to vector<4096x32xf32>
    %add3A_26 = arith.addf %dot_general3A_21, %add3A_25 : vector<4096x32xf32>
    %max3A_27 = arith.constant 0.000000e+00 : f32
    %max3A_28 = vector.broadcast %max3A_27 : f32 to vector<4096x32xf32>
    %max3A_29 = arith.maximumf %add3A_26, %max3A_28 : vector<4096x32xf32>
    %get3A_30 = arith.constant 0 : index
    %get3A_31 = arith.constant 0 : index
    %get3A_32 = vector.load %arg7[%get3A_30, %get3A_31] : memref<32x64xf32, #tpu.memory_space<vmem>>, vector<32x64xf32>
    %dot_general3A_33 = arith.constant dense<0.000000e+00> : vector<4096x64xf32>
    %dot_general3A_34 = tpu.matmul %max3A_29, %get3A_32, %dot_general3A_33 {dimension_numbers = #tpu.dot_dimension_numbers<[1], [0], [0], [1], [0, 0, 1, 1], [], []>, precision = #tpu.contract_precision<fp32>, transpose_lhs_hint = false} : vector<4096x32xf32>, vector<32x64xf32>, vector<4096x64xf32> -> vector<4096x64xf32>
    %get3A_35 = arith.constant 0 : index
    %get3A_36 = arith.constant 0 : index
    %get3A_37 = vector.load %arg8[%get3A_35, %get3A_36] : memref<1x64xf32, #tpu.memory_space<vmem>>, vector<1x64xf32>
    %add3A_38 = vector.broadcast %get3A_37 : vector<1x64xf32> to vector<4096x64xf32>
    %add3A_39 = arith.addf %dot_general3A_34, %add3A_38 : vector<4096x64xf32>
    %max3A_40 = arith.constant 0.000000e+00 : f32
    %max3A_41 = vector.broadcast %max3A_40 : f32 to vector<4096x64xf32>
    %max3A_42 = arith.maximumf %add3A_39, %max3A_41 : vector<4096x64xf32>
    %reshape3A_43 = vector.shape_cast %max3A_42 : vector<4096x64xf32> to vector<128x32x64xf32>
    %reduce_max3A = arith.constant dense<0xFF800000> : vector<128x64xf32>
    %reduce_max3A_44 = vector.multi_reduction <maximumf>, %reshape3A_43, %reduce_max3A [1] : vector<128x32x64xf32> to vector<128x64xf32>
    %swap3A = arith.constant 0 : index
    %swap3A_45 = arith.constant 0 : index
    %swap3A_46 = vector.load %arg9[%swap3A, %swap3A_45] : memref<128x64xf32, #tpu.memory_space<vmem>>, vector<128x64xf32>
    tpu.vector_store %arg9[%swap3A, %swap3A_45], %reduce_max3A_44 {strides = array<i32>} : memref<128x64xf32, #tpu.memory_space<vmem>>, vector<128x64xf32>,
    return
  }
  func.func @transform_0(%arg0: i32) -> (i32, i32) {
    %c0_i32 = arith.constant 0 : i32
    %c0_i32_0 = arith.constant 0 : i32
    return %arg0, %c0_i32 : i32, i32
  }
  func.func @transform_1(%arg0: i32) -> (i32, i32) {
    %c0_i32 = arith.constant 0 : i32
    %c0_i32_0 = arith.constant 0 : i32
    return %arg0, %c0_i32 : i32, i32
  }
  func.func @transform_2(%arg0: i32) -> (i32, i32) {
    %c0_i32 = arith.constant 0 : i32
    %c0_i32_0 = arith.constant 0 : i32
    %c0_i32_1 = arith.constant 0 : i32
    return %c0_i32, %c0_i32_0 : i32, i32
  }
  func.func @transform_3(%arg0: i32) -> (i32, i32) {
    %c0_i32 = arith.constant 0 : i32
    %c0_i32_0 = arith.constant 0 : i32
    %c0_i32_1 = arith.constant 0 : i32
    return %c0_i32, %c0_i32_0 : i32, i32
  }
  func.func @transform_4(%arg0: i32) -> (i32, i32) {
    %c0_i32 = arith.constant 0 : i32
    %c0_i32_0 = arith.constant 0 : i32
    %c0_i32_1 = arith.constant 0 : i32
    return %c0_i32, %c0_i32_0 : i32, i32
  }
  func.func @transform_5(%arg0: i32) -> (i32, i32) {
    %c0_i32 = arith.constant 0 : i32
    %c0_i32_0 = arith.constant 0 : i32
    %c0_i32_1 = arith.constant 0 : i32
    return %c0_i32, %c0_i32_0 : i32, i32
  }
  func.func @transform_6(%arg0: i32) -> (i32, i32) {
    %c0_i32 = arith.constant 0 : i32
    %c0_i32_0 = arith.constant 0 : i32
    %c0_i32_1 = arith.constant 0 : i32
    return %c0_i32, %c0_i32_0 : i32, i32
  }
  func.func @transform_7(%arg0: i32) -> (i32, i32) {
    %c0_i32 = arith.constant 0 : i32
    %c0_i32_0 = arith.constant 0 : i32
    %c0_i32_1 = arith.constant 0 : i32
    return %c0_i32, %c0_i32_0 : i32, i32
  }
  func.func @transform_8(%arg0: i32) -> (i32, i32) {
    %c0_i32 = arith.constant 0 : i32
    %c0_i32_0 = arith.constant 0 : i32
    return %arg0, %c0_i32 : i32, i32
  }
}

</mosaic_0001>

<sc_bundles>
// kernel: kernel.7.cloned.1.call-start
scs
__scs_entry_jumppad:
0x0: {  	(pc) =	sbr.rel $0x88, $3  }
0x1: {  	(tag) =	ssettag $0x0;
	lr =	simm.s32 $0x1  }
0x2: {  	[smem:$0x3F99] =	sst lr;
	_ =	strace $0xD0000000  }
0x3: {  	_ = 	snop  }
0x4: {  	_ = 	snop  }
0x5: {  	_ = 	snop  }
0x6: {  	_ = 	snop  }
0x7: {  	_ = 	snop  }
__scs_overlays_trampoline_lowered:
0x8: {  	[smem:$0x3FA8] =	sst s0  }
0x9: {  	[smem:$0x3FA9] =	sst s1  }
0xa: {  	[smem:$0x3FAA] =	sst s2  }
0xb: {  	[smem:$0x3FAB] =	sst s3  }
0xc: {  	[smem:$0x3FAC] =	sst s4  }
0xd: {  	[smem:$0x3FAD] =	sst s5  }
0xe: {  	[smem:$0x3FAE] =	sst s6  }
0xf: {  	[smem:$0x3FAF] =	sst s7  }
0x10: {  	[smem:$0x3FB0] =	sst s8  }
0x11: {  	[smem:$0x3FB1] =	sst s9;
	s0 =	simm.s32 @!p0 $0x0  }
0x12: {  	s1 =	sld [smem:$0x3F97];
	s0 =	simm.s32 @p0 $0x1  }
0x13: {  	[smem:$0x3FB2] =	sst s0;
	s0 =	simm.s32 @!p1 $0x0  }
0x14: {  	s2 =	sld [smem:$0x3F96];
	s0 =	simm.s32 @p1 $0x1  }
0x15: {  	[smem:$0x3FB3] =	sst s0;
	s0 =	simm.s32 @!p2 $0x0  }
0x16: {  	s3 =	sld [smem:$0x3FDB];
	s0 =	simm.s32 @p2 $0x1  }
0x17: {  	s4 =	simm.s32 $0x1BF5;
	[smem:$0x3FB5] =	sst s0  }
0x18: {  	s0 =	sld [smem:$0x3F98];
	_ =	swait.ge [sflag:s4], $0x0  }
0x19: {  	s7 =	sld [smem:$0x3F99]  }
0x1a: {  	s8 =	sadd.s32 $0xFFFFE003, lr  }
0x1b: {  	s9 =	sadd.s32 $0xFFFFFEF7, lr;
	s5 =	simm.s32 $0xFFFFFFFF;
	p2 =	slt.u32 s8, $0xFFFFF086  }
0x1c: {  	p1 =	slt.u32 s9, $0xF7A;
	s5 =	simm.s32 @!p2 $0x0  }
0x1d: {  	s5 =	simm.s32 @p1 $0x1;
	p0 =	seq.s32 s7, s2  }
0x1e: {  	s7 =	smul.u32 @!p0 $0xF7A, s2;
	p2 =	seq.s32 @!p0 s5, $0x0  }
0x1f: {  	s9 =	smul.u32 $0xF7A, s1;
	s8 =	simm.s32 @!p0 $0x1BF5;
	p2 =	por !p2, p0  }
0x20: {  	[sflag:s8] =	ssyncset.s32 @!p0 $0xFFFFF086;
	s6 =	sadd.s32 @!p0 s3, s7;
	s7 =	simm.s32 @!p0 $0x108  }
0x21: {  	s3 =	sadd.s32 s3, s9;
	s6 =	sadd.s32 @!p0 $0x88, s6;
	s7 =	simm.s32 @p2 $0x1082  }
0x22: {  	[simem:s7], [sflag:s8] =	dma.local @!p0 [hbm:s6], $0xF7A  }
0x23: {  	s9 =	sor.u32 $0xD0000000, s2;
	s6 =	simm.s32 $0x108;
	_ =	swait.ge @!p0 [sflag:s8], $0x0  }
0x24: {  	s3 =	sadd.s32 $0x88, s3;
	s6 =	simm.s32 @!p1 $0x1082;
	[sflag:s4] =	ssyncset.s32 $0xFFFFF086  }
0x25: {  	[simem:s6], [sflag:s4] =	dma.local [hbm:s3], $0xF7A  }
0x26: {  	[smem:$0x3F99] =	sst s1;
	(tag) =	ssettag s2;
	_ =	strace s9  }
0x27: {  	s1 =	sld [smem:$0x3FA9]  }
0x28: {  	s2 =	sld [smem:$0x3FAA]  }
0x29: {  	s4 =	sld [smem:$0x3FAC]  }
0x2a: {  	p0 =	seq.s32 s5, $0x0;
	s5 =	sld [smem:$0x3FAD]  }
0x2b: {  	s6 =	sld [smem:$0x3FAE]  }
0x2c: {  	s7 =	sld [smem:$0x3FAF]  }
0x2d: {  	s3 =	simm.s32 $0x108;
	s8 =	sld [smem:$0x3FB0]  }
0x2e: {  	s3 =	simm.s32 @!p0 $0x1082;
	s9 =	sld [smem:$0x3FB1]  }
0x2f: {  	lr =	sadd.s32 s0, s3;
	s0 =	sld [smem:$0x3FA8]  }
0x30: {  	s3 =	sld [smem:$0x3FAB]  }
0x31: {  	[smem:$0x3FB4] =	sst s10  }
0x32: {  	s10 =	sld [smem:$0x3FB2];
	_ =	sdelay $0x3  }
0x33: {  	p0 =	seq.s32 s10, $0x1;
	s10 =	sld [smem:$0x3FB4];
	_ =	sdelay $0x3  }
0x34: {  	[smem:$0x3FB4] =	sst s10  }
0x35: {  	s10 =	sld [smem:$0x3FB3];
	_ =	sdelay $0x3  }
0x36: {  	p1 =	seq.s32 s10, $0x1;
	s10 =	sld [smem:$0x3FB4];
	_ =	sdelay $0x3  }
0x37: {  	[smem:$0x3FB4] =	sst s10  }
0x38: {  	s10 =	sld [smem:$0x3FB5]  }
0x39: {  	_ = 	snop;
	(pc) =	sbr.ind lr, $3  }
0x3a: {  	_ = 	snop  }
0x3b: {  	_ = 	snop  }
0x3c: {  	p2 =	seq.s32 s10, $0x1;
	s10 =	sld [smem:$0x3FB4]  }
0x3d: {  	_ =	shalt  }
0x3e: {  	_ =	shalt  }
0x3f: {  	_ =	shalt  }
0x40: {  	_ =	shalt  }
0x41: {  	_ =	shalt  }
0x42: {  	_ =	shalt  }
0x43: {  	_ =	shalt  }
0x44: {  	_ =	shalt  }
0x45: {  	_ =	shalt  }
0x46: {  	_ =	shalt  }
0x47: {  	_ =	shalt  }
0x48: {  	_ =	shalt  }
0x49: {  	_ =	shalt  }
0x4a: {  	_ =	shalt  }
0x4b: {  	_ =	shalt  }
0x4c: {  	_ =	shalt  }
0x4d: {  	_ =	shalt  }
0x4e: {  	_ =	shalt  }
0x4f: {  	_ =	shalt  }
0x50: {  	_ =	shalt  }
0x51: {  	_ =	shalt  }
0x52: {  	_ =	shalt  }
0x53: {  	_ =	shalt  }
0x54: {  	_ =	shalt  }
0x55: {  	_ =	shalt  }
0x56: {  	_ =	shalt  }
0x57: {  	_ =	shalt  }
0x58: {  	_ =	shalt  }
0x59: {  	_ =	shalt  }
0x5a: {  	_ =	shalt  }
0x5b: {  	_ =	shalt  }
0x5c: {  	_ =	shalt  }
0x5d: {  	_ =	shalt  }
0x5e: {  	_ =	shalt  }
0x5f: {  	_ =	shalt  }
0x60: {  	_ =	shalt  }
0x61: {  	_ =	shalt  }
0x62: {  	_ =	shalt  }
0x63: {  	_ =	shalt  }
0x64: {  	_ =	shalt  }
0x65: {  	_ =	shalt  }
0x66: {  	_ =	shalt  }
0x67: {  	_ =	shalt  }
0x68: {  	_ =	shalt  }
0x69: {  	_ =	shalt  }
0x6a: {  	_ =	shalt  }
0x6b: {  	_ =	shalt  }
0x6c: {  	_ =	shalt  }
0x6d: {  	_ =	shalt  }
0x6e: {  	_ =	shalt  }
0x6f: {  	_ =	shalt  }
0x70: {  	_ =	shalt  }
0x71: {  	_ =	shalt  }
0x72: {  	_ =	shalt  }
0x73: {  	_ =	shalt  }
0x74: {  	_ =	shalt  }
0x75: {  	_ =	shalt  }
0x76: {  	_ =	shalt  }
0x77: {  	_ =	shalt  }
0x78: {  	_ =	shalt  }
0x79: {  	_ =	shalt  }
0x7a: {  	_ =	shalt  }
0x7b: {  	_ =	shalt  }
0x7c: {  	_ =	shalt  }
0x7d: {  	_ =	shalt  }
0x7e: {  	_ =	shalt  }
0x7f: {  	_ =	shalt  }
0x80: {  	_ =	shalt  }
0x81: {  	_ =	shalt  }
0x82: {  	_ =	shalt  }
0x83: {  	_ =	shalt  }
0x84: {  	_ =	shalt  }
0x85: {  	_ =	shalt  }
0x86: {  	_ =	shalt  }
0x87: {  	_ =	shalt  }
.Lfunc_end0:
.L_simem_size_0:
called_computation_lowered:
.L_overlay_start_0:
0x88: {  	s2 =	sld [smem:$0x3FD9]  }
0x89: {  	s3 =	sld [smem:$0x3FFE];
	_ =	sdelay $0x1  }
0x8a: {  	s1 =	srdreg.scid  }
0x8b: {  	s0 =	sand.u32 $0x1, s1  }
0x8c: {  	s14 =	sshll.u32 s0, $0xA;
	s2 =	sadd.s32 s3, s2  }
0x8d: {  	s2 =	sadd.s32 s2, s14  }
0x8e: {  	[smem:$0x3FC0] =	sst s2  }
0x8f: {  	_ = 	snop  }
0x90: {  	s2 =	sld [smem:$0x3FD0];
	_ =	sdelay $0x2  }
0x91: {  	s15 =	simm.s32 $0xA;
	s4 =	simm.s32 $0x10  }
0x92: {  	[smem:s4], [sflag:s15] =	dma.local [hbm:s2], $0x1  }
0x93: {  	_ =	swait.eq [sflag:s15], $0x1  }
0x94: {  	[sflag:s15] =	ssyncset.done $0x0  }
0x95: {  	[sflag:s15] =	ssyncadd.s32 $0xFFFFFFFF  }
0x96: {  	s16 =	sld [smem:$0x11];
	(tm) =	ssettm $0x1  }
0x97: {  	s17 =	sld [smem:$0x3FFB];
	_ =	sdelay $0x3  }
0x98: {  	_ =	strace s17  }
0x99: {  	s3 =	sld [smem:$0x3FFC];
	_ =	sdelay $0x3  }
0x9a: {  	_ =	strace s3  }
0x9b: {  	s3 =	sld [smem:$0x3FFD];
	_ =	sdelay $0x3  }
0x9c: {  	_ =	strace s3  }
0x9d: {  	_ =	strace $0x8FFFFFFF  }
0x9e: {  	s18 =	sld [smem:$0x3FDB];
	_ =	sdelay $0x1  }
0x9f: {  	s19 =	simm.s32 $_scs_section_size  }
0xa0: {  	s5 =	simm.s32 $_size__tile_overlayer_lowered;
	s6 =	simm.s32 $_tile_overlayer_lowered  }
0xa1: {  	s22 =	simm.s32 $0x1BFF;
	s21 =	sshll.u32 s6, $0x1;
	s3 =	sadd.s32 s19, s18  }
0xa2: {  	s7 =	simm.s32 $0x0;
	s20 =	sshll.u32 s5, $0x1;
	s5 =	sadd.s32 s21, s3  }
0xa3: {  	[timem:s7], [sflag:s22] =	dma.local [hbm:s5], s20  }
0xa4: {  	_ =	swait.ge [sflag:s22], s20  }
0xa5: {  	s4 =	ssub.s32 $0x0, s20;
	[sflag:s22] =	ssyncset.done $0x0  }
0xa6: {  	[sflag:s22] =	ssyncadd.s32 s4;
	_ =	sdelay $0x1  }
0xa7: {  	s23 =	simm.s32 $0x1B8B  }
0xa8: {  	_ =	swait.ge [sflag:s23], $0x1  }
0xa9: {  	[sflag:s23] =	ssyncset.done $0x0  }
0xaa: {  	s25 =	simm.s32 $0x1B8E;
	s24 =	sld [smem:$0x3FFE];
	[sflag:s23] =	ssyncadd.s32 $0xFFFFFFFF  }
0xab: {  	s26 =	simm.s32 $execute0_lowered;
	[smem:$0x3FD2] =	sst s25  }
0xac: {  	s5 =	sshll.u32 s26, $0x1;
	_ =	strace $0x80000046;
	[dreg:$0x1] =	wrdreg $0xFFFFFFFF  }
0xad: {  	s28 =	simm.s32 $_size_execute0_lowered;
	s3 =	sadd.s32 s3, s5;
	[dreg:$0x0] =	wrdreg $0x0  }
0xae: {  	s5 =	sshll.u32 s28, $0x1;
	[dreg:$0x2] =	wrdreg s3  }
0xaf: {  	[dreg:$0x3] =	wrdreg s5  }
0xb0: {  	[dreg:$0x4] =	wrdreg $0xC0  }
0xb1: {  	_ =	task [dreg:s7], $0x5FFFF  }
0xb2: {  	[dreg:$0x1] =	wrdreg $0xFFFFFFFF  }
0xb3: {  	[dreg:$0x0] =	wrdreg $0x60  }
0xb4: {  	[dreg:$0x2] =	wrdreg s16  }
0xb5: {  	[dreg:$0x3] =	wrdreg s24  }
0xb6: {  	[dreg:$0x4] =	wrdreg $0x9  }
0xb7: {  	_ =	task.clear_ibuf [dreg:s7], $0x5FFFF;
	_ =	strace $0x90000046  }
0xb8: {  	s29 =	simm.s32 $0x9;
	_ =	strace $0x80000048  }
0xb9: {  	_ =	swait.ge [sflag:s29], $0x1  }
0xba: {  	[sflag:s29] =	ssyncadd.s32 $0xFFFFFFFF  }
0xbb: {  	_ =	strace $0x90000048  }
0xbc: {  	_ =	sfence  }
0xbd: {  	s30 =	sld [smem:$0x0];
	_ =	sdelay $0x2  }
0xbe: {  	s31 =	sshll.u32 s1, $0xD;
	s1 =	sshrl.u32 s1, $0x2  }
0xbf: {  	s3 =	sand.u32 $0x4000, s31;
	s1 =	sadd.s32 s1, s30  }
0xc0: {  	s0 =	sor.u32 s3, s0;
	s1 =	sshll.u32 s1, $0x11  }
0xc1: {  	s0 =	sor.u32 s1, s0  }
0xc2: {  	s0 =	sadd.s32 $0x8F2B, s0  }
0xc3: {  	[sflag:s0] =	ssyncadd.remote.s32 $0x1  }
0xc4: {  	_ =	sfence.sel $0xFFFF  }
0xc5: {  	[dreg:$0x0] =	wrdreg $0xFFFFFFFF;
	(pc) =	sbr.abs _section_cstart, $3  }
0xc6: {  	[dreg:$0x1] =	wrdreg $0xFFFFFFFF  }
0xc7: {  	_ =	task.clear_ibuf [dreg:s7], $0x2FFFF;
	_ =	strace $0x9FFFFFFF  }
0xc8: {  	(tm) =	ssettm $0x7FFFFFFF  }
0xc9: {  	_ =	shalt  }
tec
execute0_lowered:
.L_overlay_start_1:
0x0: {  	(tag) =	ssettag $0x1  }
0x1: {  	s4 =	rddreg [dreg:$0x0]  }
0x2: {  	s5 =	rddreg [dreg:$0x1]  }
0x3: {  	s0 =	rddreg [dreg:$0x2];
	s1 =	simm.s32 $0x0  }
0x4: {  	s6 =	srdreg.scid;
	s2 =	stileid.u32;
	s10 =	simm.s32 $0x2000  }
0x5: {  	s11 =	simm.s32 $0x1;
	s12 =	simm.s32 $0x2;
	s13 =	simm.s32 $0x0  }
0x6: {  	[smem:$0x7FF] =	sst s1;
	s3 =	sadd.s32 $0x1600, s5;
	s6 =	sand.u32 $0x1, s6  }
0x7: {  	s7 =	sshll.u32 s2, $0xF;
	s8 =	sshll.u32 s2, $0xD;
	_ =	strace $0x80000047  }
0x8: {  	s9 =	sshll.u32 s6, $0xC;
	s5 =	sadd.s32 s7, s5;
	s30 =	ssub.s32 $0x2, s6  }
0x9: {  	s6 =	sshll.u32 s6, $0xE;
	s8 =	sor.u32 s9, s8;
	s31 =	sshrl.u32 s30, $0x1  }
0xa: {  	s6 =	sadd.s32 s6, s5;
	s9 =	simm.s32 $0x1000;
	s8 =	sshrl.u32 s8, $0x3  }
0xb: {  	s7 =	ssub.s32 s30, s31;
	s6 =	sadd.s32 $0x21600, s6;
	s4 =	sadd.s32 s4, s8  }
0xc: {  	s5 =	smax.u32 s7, $0x1;
	s7 =	simm.s32 $0x3;
	s8 =	simm.s32 $0x80  }
.LBB2_1:
0xd: {  	[tilespmem:s1], [sflag:$0x3] =	stream.linear.gather [hbm4b:s4+s1], $0x1000, $0x38;
	[tilespmem:$0x3000] =	vst v63  }
0xe: {  	_ =	swait.ge [sflag:s7], $0x1000  }
0xf: {  	[sflag:s7] =	ssyncset.done $0x0  }
0x10: {  	s14 =	simm.s32 $0x0;
	[sflag:s7] =	ssyncadd.s32 $0xFFFFF000  }
0x11: {  	[tilespmem:s9], [sflag:$0x1] =	stream.indirect.gather [hbm4b:s3+s8], $0x20, s14, s8, $0xb8;
	[tilespmem:$0x3000] =	vst v63  }
0x12: {  	s30 =	simm.s32 $0x80  }
0x13: {  	[tilespmem:s10], [sflag:$0x2] =	stream.indirect.gather [hbm4b:s3+s8], $0x20, s30, s8, $0xb8;
	[tilespmem:$0x3000] =	vst v63  }
0x14: {  	_ =	swait.ge [sflag:s11], $0x1000  }
0x15: {  	[sflag:s11] =	ssyncset.done $0x0  }
0x16: {  	s31 =	sadd.s32 $0x0, s6;
	[sflag:s11] =	ssyncadd.s32 $0xFFFFF000  }
0x17: {  	[hbm4b:s31+s1] =	stream.linear.scatter [tilespmem:s9], [sflag:$0x3], $0x1000, $0x38;
	[tilespmem:$0x3000] =	vst v63  }
0x18: {  	_ =	swait.ge [sflag:s7], $0x1000  }
0x19: {  	[sflag:s7] =	ssyncset.done $0x0  }
0x1a: {  	[sflag:s7] =	ssyncadd.s32 $0xFFFFF000  }
0x1b: {  	_ =	swait.ge [sflag:s12], $0x1000  }
0x1c: {  	[sflag:s12] =	ssyncset.done $0x0  }
0x1d: {  	s14 =	sadd.s32 $0x200, s31;
	[sflag:s12] =	ssyncadd.s32 $0xFFFFF000  }
0x1e: {  	[hbm4b:s14+s1] =	stream.linear.scatter [tilespmem:s10], [sflag:$0x3], $0x1000, $0x38;
	[tilespmem:$0x3000] =	vst v63  }
0x1f: {  	_ =	swait.ge [sflag:s7], $0x1000  }
0x20: {  	s15 =	simm.s32 $0x800;
	s14 =	simm.s32 $0x400;
	[sflag:s7] =	ssyncset.done $0x0  }
.LBB2_2:
0x21: {  	s16 =	sshra.s32 s14, $0x2  }
0x22: {  	[sflag:s7] =	ssyncadd.s32 $0xFFFFF000;
	s17 =	smov.u32 s15;
	s18 =	sadd.s32 $0x400, s15  }
0x23: {  	[tilespmem:s9], [sflag:$0x1] =	stream.indirect.gather [hbm4b:s3+s8], $0x20, s16, s8, $0xb8;
	[tilespmem:$0x3000] =	vst v63  }
0x24: {  	p0 =	sne.s32 s15, $0x3C00;
	s15 =	sadd.s32 $0x80, s16  }
0x25: {  	[tilespmem:s10], [sflag:$0x2] =	stream.indirect.gather [hbm4b:s3+s8], $0x20, s15, s8, $0xb8;
	[tilespmem:$0x3000] =	vst v63  }
0x26: {  	_ =	swait.ge [sflag:s11], $0x1000  }
0x27: {  	[sflag:s11] =	ssyncset.done $0x0  }
0x28: {  	s15 =	sadd.s32 s14, s6;
	s14 =	smov.u32 s17;
	[sflag:s11] =	ssyncadd.s32 $0xFFFFF000  }
0x29: {  	[hbm4b:s15+s1] =	stream.linear.scatter [tilespmem:s9], [sflag:$0x3], $0x1000, $0x38;
	[tilespmem:$0x3000] =	vst v63  }
0x2a: {  	_ =	swait.ge [sflag:s7], $0x1000  }
0x2b: {  	[sflag:s7] =	ssyncset.done $0x0  }
0x2c: {  	[sflag:s7] =	ssyncadd.s32 $0xFFFFF000  }
0x2d: {  	_ =	swait.ge [sflag:s12], $0x1000  }
.Ltmp0:
0x2e: {  	[sflag:s12] =	ssyncset.done $0x0;
	(pc) =	sbr.rel @p0 .LBB2_2-.Ltmp0, $4  }
0x2f: {  	s15 =	sadd.s32 $0x200, s15;
	[sflag:s12] =	ssyncadd.s32 $0xFFFFF000  }
0x30: {  	[hbm4b:s15+s1] =	stream.linear.scatter [tilespmem:s10], [sflag:$0x3], $0x1000, $0x38;
	[tilespmem:$0x3000] =	vst v63  }
0x31: {  	_ =	swait.ge [sflag:s7], $0x1000  }
0x32: {  	s15 =	smov.u32 s18;
	[sflag:s7] =	ssyncset.done $0x0  }
0x33: {  	s15 =	sshra.s32 s14, $0x2;
	[sflag:s7] =	ssyncadd.s32 $0xFFFFF000  }
0x34: {  	[tilespmem:s9], [sflag:$0x1] =	stream.indirect.gather [hbm4b:s3+s8], $0x20, s15, s8, $0xb8;
	[tilespmem:$0x3000] =	vst v63  }
0x35: {  	s15 =	sadd.s32 $0x80, s15  }
0x36: {  	[tilespmem:s10], [sflag:$0x2] =	stream.indirect.gather [hbm4b:s3+s8], $0x20, s15, s8, $0xb8;
	[tilespmem:$0x3000] =	vst v63  }
0x37: {  	_ =	swait.ge [sflag:s11], $0x1000  }
0x38: {  	[sflag:s11] =	ssyncset.done $0x0  }
0x39: {  	s31 =	sadd.s32 s14, s6;
	[sflag:s11] =	ssyncadd.s32 $0xFFFFF000  }
0x3a: {  	[hbm4b:s31+s1] =	stream.linear.scatter [tilespmem:s9], [sflag:$0x3], $0x1000, $0x38;
	[tilespmem:$0x3000] =	vst v63  }
0x3b: {  	_ =	swait.ge [sflag:s7], $0x1000  }
0x3c: {  	[sflag:s7] =	ssyncset.done $0x0  }
0x3d: {  	[sflag:s7] =	ssyncadd.s32 $0xFFFFF000  }
0x3e: {  	s13 =	sadd.s32 $0x1, s13;
	_ =	swait.ge [sflag:s12], $0x1000  }
0x3f: {  	p0 =	sne.s32 s13, s5;
	[sflag:s12] =	ssyncset.done $0x0  }
.Ltmp1:
0x40: {  	s14 =	sadd.s32 $0x200, s31;
	[sflag:s12] =	ssyncadd.s32 $0xFFFFF000;
	(pc) =	sbr.rel @p0 .LBB2_1-.Ltmp1, $4  }
0x41: {  	[hbm4b:s14+s1] =	stream.linear.scatter [tilespmem:s10], [sflag:$0x3], $0x1000, $0x38;
	[tilespmem:$0x3000] =	vst v63  }
0x42: {  	_ =	swait.ge [sflag:s7], $0x1000  }
0x43: {  	[sflag:s7] =	ssyncset.done $0x0  }
0x44: {  	[sflag:s7] =	ssyncadd.s32 $0xFFFFF000  }
0x45: {  	_ =	sfence.sel $0x180000  }
0x46: {  	[bflag:$0x0] =	sbarrier.arrive $0xFFFF  }
0x47: {  	p0 =	sne.s32 s2, $0x0;
	_ =	strace $0x90000047  }
0x48: {  	s0 =	sadd.s32 @!p0 $0x100000, s0;
	[bflag:$0x2] =	sbarrier.arrive $0xFFFF  }
0x49: {  	[sflag:s0] =	ssyncadd.tile.s32 @!p0 $0x1;
	_ =	shalt  }
.Lfunc_end2:
_tile_overlayer_lowered:
.L_overlay_start_2:
0x4a: {  	(tag) =	ssettag $0x2  }
0x4b: {  	s0 =	rddreg [dreg:$0x0];
	s2 =	stileid.u32  }
0x4c: {  	s1 =	rddreg [dreg:$0x1];
	p0 =	sne.s32 s2, $0x0  }
0x4d: {  	s3 =	rddreg [dreg:$0x2];
	[bflag:$0x3] =	sbarrier.arrive $0xFFFF;
	s2 =	simm.s32 @!p0 $0x1C03  }
0x4e: {  	[timem:s3], [sflag:s2] =	dma.local @!p0 [hbm:s0], s1  }
0x4f: {  	s0 =	simm.s32 @!p0 $0x3  }
0x50: {  	_ =	swait.ge @!p0 [sflag:s0], s1  }
0x51: {  	s1 =	ssub.s32 @!p0 $0x0, s1;
	[sflag:s0] =	ssyncset.done @!p0 $0x0  }
0x52: {  	[sflag:s0] =	ssyncadd.s32 @!p0 s1  }
0x53: {  	[bflag:$0x3] =	sbarrier.arrive $0xFFFF  }
0x54: {  	_ =	shalt  }

</sc_bundles>
